<compile_context>
chip_gen: v7x
topology: tpu7x:2x2x1
jax: 0.10.2.dev20260603
libtpu: 0.0.44.dev20260713+nightly
codegen_flags: <defaults>
</compile_context>

<pallas_src>
import functools

import jax
import jax.numpy as jnp
from jax import lax
from jax.experimental import pallas as pl
from jax.experimental.pallas import tpu as pltpu
from jax.experimental.pallas import tpu_sc as plsc

_G = 200
_NBINS = _G * _G
_N = 25000 * 81
_NPAD = 2 ** 21
_NC = 2
_NS = 16
_NW = _NC * _NS
_PPW = _NPAD // _NW
_CH = 8192
_KCH = _PPW // _CH
_NGRP = _CH // 16
_CLIP_HI = _G - 1 - 1e-6


def _sc_hist_body(xs_hbm, ys_hbm, out_hbm, xb0, yb0, xb1, yb1, hist, sems):
  xbufs = (xb0, xb1)
  ybufs = (yb0, yb1)
  c = lax.axis_index("c")
  s = lax.axis_index("s")
  wid = c * _NS + s
  base = wid * _PPW

  zeros16 = jnp.zeros((16,), jnp.float32)

  @pl.loop(0, _NBINS // 16, unroll=8)
  def _(i):
    hist[pl.ds(i * 16, 16)] = zeros16

  ones16 = jnp.ones((16,), jnp.float32)
  iota = lax.iota(jnp.int32, 16)

  def start_dma(k, b):
    off = base + k * _CH
    pltpu.async_copy(xs_hbm.at[pl.ds(off, _CH)], xbufs[b], sems.at[b])
    pltpu.async_copy(ys_hbm.at[pl.ds(off, _CH)], ybufs[b], sems.at[b])

  def wait_dma(b):
    pltpu.make_async_copy(
        xs_hbm.at[pl.ds(0, _CH)], xbufs[b], sems.at[b]
    ).wait()
    pltpu.make_async_copy(
        ys_hbm.at[pl.ds(0, _CH)], ybufs[b], sems.at[b]
    ).wait()

  start_dma(0, 0)
  start_dma(1, 1)

  def bin_index(xbuf, ybuf, g):
    g16 = g * 16
    xv = xbuf[pl.ds(g16, 16)]
    yv = ybuf[pl.ds(g16, 16)]
    xc = jnp.clip(xv, 0.0, _CLIP_HI)
    yc = jnp.clip(yv, 0.0, _CLIP_HI)
    xi = (xc + 0.5).astype(jnp.int32)
    yi = (yc + 0.5).astype(jnp.int32)
    return xi * _G + yi

  def process_chunk(k, b):
    wait_dma(b)
    xbuf = xbufs[b]
    ybuf = ybufs[b]
    thr = _N - (base + k * _CH)

    @pl.when(thr >= _CH)
    def _():
      @plsc.parallel_loop(0, _NGRP, unroll=8)
      def _(g):
        idx = bin_index(xbuf, ybuf, g)
        plsc.addupdate_scatter(hist, [idx], ones16)

    @pl.when(thr < _CH)
    def _():
      @plsc.parallel_loop(0, _NGRP, unroll=8)
      def _(g):
        idx = bin_index(xbuf, ybuf, g)
        m = (iota + g * 16) < thr
        plsc.addupdate_scatter(hist, [idx], ones16, mask=m)

    @pl.when(k + 2 < _KCH)
    def _():
      start_dma(k + 2, b)

  @pl.loop(0, _KCH, step=2)
  def _(k0):
    process_chunk(k0, 0)
    process_chunk(k0 + 1, 1)

  pltpu.sync_copy(hist, out_hbm.at[wid])


@functools.cache
def _get_sc_hist():
  return pl.kernel(
      _sc_hist_body,
      out_type=jax.ShapeDtypeStruct((_NW, _NBINS), jnp.float32),
      mesh=plsc.VectorSubcoreMesh(
          core_axis_name="c", subcore_axis_name="s", num_cores=_NC,
          num_subcores=_NS,
      ),
      scratch_types=[
          pltpu.VMEM((_CH,), jnp.float32),
          pltpu.VMEM((_CH,), jnp.float32),
          pltpu.VMEM((_CH,), jnp.float32),
          pltpu.VMEM((_CH,), jnp.float32),
          pltpu.VMEM((_NBINS,), jnp.float32),
          pltpu.SemaphoreType.DMA((2,)),
      ],
      compiler_params=pltpu.CompilerParams(needs_layout_passes=False),
  )


def _finalize_body(partials_ref, grid_ref, out_ref):
  total = jnp.sum(partials_ref[...], axis=0)
  prob = total / float(25000 * 80)
  out_ref[...] = jnp.where(grid_ref[...] != 0.0, 0.0, prob)


def kernel(all_points, grid):
  padded = jnp.zeros((2, _NPAD), jnp.float32).at[:, :_N].set(all_points.T)
  partials = _get_sc_hist()(padded[0], padded[1])
  grid_flat = grid.reshape(_NBINS)
  out_flat = pl.pallas_call(
      _finalize_body,
      out_shape=jax.ShapeDtypeStruct((_NBINS,), jnp.float32),
  )(partials, grid_flat)
  return out_flat.reshape(_G, _G)

# --- scband reference (transcript-rebuilt; emitter-appended) ---
"""Pipeline reference for scband-monte-carlo-target-13314398618134 (READ-ONLY COPY).

The authoritative reference and input builder live on the scoring server;
editing this copy changes nothing except your own understanding.
"""

import jax, jax.numpy as jnp
import numpy as np

GRID_SIZE = 200
NUM_TARGET_TRAJ = 25000
TARGET_STEPS = 80


def setup_inputs(seed: int = 0) -> dict:
    key = jax.random.key(seed)
    k1, k2 = jax.random.split(key)
    n_points = NUM_TARGET_TRAJ * (TARGET_STEPS + 1)
    all_points = jax.random.uniform(k1, (n_points, 2), dtype=jnp.float32) * (GRID_SIZE - 1)
    grid = (jax.random.uniform(k2, (GRID_SIZE, GRID_SIZE)) < 0.05).astype(jnp.float32)
    return {"all_points": all_points, "grid": grid}


def reference(all_points, grid):
    # Faithful port of MonteCarloTarget.calculate_probability
    pts = jnp.clip(all_points, 0.0, GRID_SIZE - 1 - 1e-06)
    x_idx = jnp.clip((pts[:, 0] + 0.5).astype(jnp.int32), 0, GRID_SIZE - 1)
    y_idx = jnp.clip((pts[:, 1] + 0.5).astype(jnp.int32), 0, GRID_SIZE - 1)
    flat_indices = x_idx * GRID_SIZE + y_idx
    max_index = GRID_SIZE * GRID_SIZE - 1
    flat_indices = jnp.clip(flat_indices, 0, max_index)
    hist = jnp.bincount(flat_indices, minlength=GRID_SIZE ** 2, length=GRID_SIZE ** 2)
    hist = hist[: GRID_SIZE ** 2].reshape(GRID_SIZE, GRID_SIZE).astype(jnp.float32)
    target_prob = hist / float(NUM_TARGET_TRAJ * TARGET_STEPS)
    target_prob = jnp.where(grid.astype(bool), 0.0, target_prob)
    return target_prob

if __name__ == "__main__":
    import jax
    _d = setup_inputs()
    print(jax.jit(kernel)(*tuple(_d.values())))

</pallas_src>

<mosaic_0001>
#map = affine_map<(d0, d1) -> (0)>
#map1 = affine_map<(d0, d1) -> (0, 0)>
module attributes {stable_mosaic.version = 14 : i64} {
  func.func @_sc_hist_body(%arg0: i32, %arg1: i32, %arg2: memref<2097152xf32, #tpu.memory_space<hbm>>, %arg3: memref<2097152xf32, #tpu.memory_space<hbm>>, %arg4: memref<32x40000xf32, #tpu.memory_space<hbm>>, %arg5: memref<8192xf32, #tpu.memory_space<vmem>>, %arg6: memref<8192xf32, #tpu.memory_space<vmem>>, %arg7: memref<8192xf32, #tpu.memory_space<vmem>>, %arg8: memref<8192xf32, #tpu.memory_space<vmem>>, %arg9: memref<40000xf32, #tpu.memory_space<vmem>>, %arg10: memref<2x!tpu.dma_semaphore, #tpu.memory_space<semaphore_mem>>) attributes {dimension_semantics = [#tpu.dimension_semantics<core_parallel>, #tpu.dimension_semantics<subcore_parallel>], iteration_bounds = array<i64: 2, 16>, scalar_prefetch = 0 : i64, scratch_operands = 6 : i64, tpu.core_type = #tpu.core_type<sc_vector_subcore>, window_params = [{transform_indices = #map}, {transform_indices = #map}, {transform_indices = #map1}]} {
    %mul3A = arith.constant 16 : i32
    %mul3A_0 = arith.muli %arg0, %mul3A : i32
    %add3A = arith.addi %mul3A_0, %arg1 : i32
    %mul3A_1 = arith.constant 65536 : i32
    %mul3A_2 = arith.muli %add3A, %mul3A_1 : i32
    %broadcast_in_dim3A = arith.constant 0.000000e+00 : f32
    %broadcast_in_dim3A_3 = vector.broadcast %broadcast_in_dim3A : f32 to vector<16xf32>
    %scan3A = arith.constant 0 : i32
    %scan3A_4 = arith.constant 2496 : i32
    %scan3A_5 = arith.addi %scan3A, %scan3A_4 : i32
    %scan3A_6 = arith.constant 8 : i32
    scf.for %scan3A_77 = %scan3A to %scan3A_5 step %scan3A_6  : i32 {
      %mul3A_78 = arith.constant 1 : i32
      %mul3A_79 = arith.muli %scan3A_77, %mul3A_78 : i32
      %add3A_80 = arith.constant 0 : i32
      %add3A_81 = arith.addi %add3A_80, %mul3A_79 : i32
      %mul3A_82 = arith.constant 16 : i32
      %mul3A_83 = arith.muli %add3A_81, %mul3A_82 : i32
      %swap3A_84 = arith.index_cast %mul3A_83 : i32 to index
      %swap3A_85 = tpu.vector_load %arg9[%swap3A_84] {strides = array<i32>} : memref<40000xf32, #tpu.memory_space<vmem>>, vector<16xf32>,
      tpu.vector_store %arg9[%swap3A_84], %broadcast_in_dim3A_3 {strides = array<i32>} : memref<40000xf32, #tpu.memory_space<vmem>>, vector<16xf32>,
      %scan3A_86 = arith.constant 1 : i32
      %scan3A_87 = arith.addi %scan3A_77, %scan3A_86 : i32
      %mul3A_88 = arith.constant 1 : i32
      %mul3A_89 = arith.muli %scan3A_87, %mul3A_88 : i32
      %add3A_90 = arith.constant 0 : i32
      %add3A_91 = arith.addi %add3A_90, %mul3A_89 : i32
      %mul3A_92 = arith.constant 16 : i32
      %mul3A_93 = arith.muli %add3A_91, %mul3A_92 : i32
      %swap3A_94 = arith.index_cast %mul3A_93 : i32 to index
      %swap3A_95 = tpu.vector_load %arg9[%swap3A_94] {strides = array<i32>} : memref<40000xf32, #tpu.memory_space<vmem>>, vector<16xf32>,
      tpu.vector_store %arg9[%swap3A_94], %broadcast_in_dim3A_3 {strides = array<i32>} : memref<40000xf32, #tpu.memory_space<vmem>>, vector<16xf32>,
      %scan3A_96 = arith.constant 2 : i32
      %scan3A_97 = arith.addi %scan3A_77, %scan3A_96 : i32
      %mul3A_98 = arith.constant 1 : i32
      %mul3A_99 = arith.muli %scan3A_97, %mul3A_98 : i32
      %add3A_100 = arith.constant 0 : i32
      %add3A_101 = arith.addi %add3A_100, %mul3A_99 : i32
      %mul3A_102 = arith.constant 16 : i32
      %mul3A_103 = arith.muli %add3A_101, %mul3A_102 : i32
      %swap3A_104 = arith.index_cast %mul3A_103 : i32 to index
      %swap3A_105 = tpu.vector_load %arg9[%swap3A_104] {strides = array<i32>} : memref<40000xf32, #tpu.memory_space<vmem>>, vector<16xf32>,
      tpu.vector_store %arg9[%swap3A_104], %broadcast_in_dim3A_3 {strides = array<i32>} : memref<40000xf32, #tpu.memory_space<vmem>>, vector<16xf32>,
      %scan3A_106 = arith.constant 3 : i32
      %scan3A_107 = arith.addi %scan3A_77, %scan3A_106 : i32
      %mul3A_108 = arith.constant 1 : i32
      %mul3A_109 = arith.muli %scan3A_107, %mul3A_108 : i32
      %add3A_110 = arith.constant 0 : i32
      %add3A_111 = arith.addi %add3A_110, %mul3A_109 : i32
      %mul3A_112 = arith.constant 16 : i32
      %mul3A_113 = arith.muli %add3A_111, %mul3A_112 : i32
      %swap3A_114 = arith.index_cast %mul3A_113 : i32 to index
      %swap3A_115 = tpu.vector_load %arg9[%swap3A_114] {strides = array<i32>} : memref<40000xf32, #tpu.memory_space<vmem>>, vector<16xf32>,
      tpu.vector_store %arg9[%swap3A_114], %broadcast_in_dim3A_3 {strides = array<i32>} : memref<40000xf32, #tpu.memory_space<vmem>>, vector<16xf32>,
      %scan3A_116 = arith.constant 4 : i32
      %scan3A_117 = arith.addi %scan3A_77, %scan3A_116 : i32
      %mul3A_118 = arith.constant 1 : i32
      %mul3A_119 = arith.muli %scan3A_117, %mul3A_118 : i32
      %add3A_120 = arith.constant 0 : i32
      %add3A_121 = arith.addi %add3A_120, %mul3A_119 : i32
      %mul3A_122 = arith.constant 16 : i32
      %mul3A_123 = arith.muli %add3A_121, %mul3A_122 : i32
      %swap3A_124 = arith.index_cast %mul3A_123 : i32 to index
      %swap3A_125 = tpu.vector_load %arg9[%swap3A_124] {strides = array<i32>} : memref<40000xf32, #tpu.memory_space<vmem>>, vector<16xf32>,
      tpu.vector_store %arg9[%swap3A_124], %broadcast_in_dim3A_3 {strides = array<i32>} : memref<40000xf32, #tpu.memory_space<vmem>>, vector<16xf32>,
      %scan3A_126 = arith.constant 5 : i32
      %scan3A_127 = arith.addi %scan3A_77, %scan3A_126 : i32
      %mul3A_128 = arith.constant 1 : i32
      %mul3A_129 = arith.muli %scan3A_127, %mul3A_128 : i32
      %add3A_130 = arith.constant 0 : i32
      %add3A_131 = arith.addi %add3A_130, %mul3A_129 : i32
      %mul3A_132 = arith.constant 16 : i32
      %mul3A_133 = arith.muli %add3A_131, %mul3A_132 : i32
      %swap3A_134 = arith.index_cast %mul3A_133 : i32 to index
      %swap3A_135 = tpu.vector_load %arg9[%swap3A_134] {strides = array<i32>} : memref<40000xf32, #tpu.memory_space<vmem>>, vector<16xf32>,
      tpu.vector_store %arg9[%swap3A_134], %broadcast_in_dim3A_3 {strides = array<i32>} : memref<40000xf32, #tpu.memory_space<vmem>>, vector<16xf32>,
      %scan3A_136 = arith.constant 6 : i32
      %scan3A_137 = arith.addi %scan3A_77, %scan3A_136 : i32
      %mul3A_138 = arith.constant 1 : i32
      %mul3A_139 = arith.muli %scan3A_137, %mul3A_138 : i32
      %add3A_140 = arith.constant 0 : i32
      %add3A_141 = arith.addi %add3A_140, %mul3A_139 : i32
      %mul3A_142 = arith.constant 16 : i32
      %mul3A_143 = arith.muli %add3A_141, %mul3A_142 : i32
      %swap3A_144 = arith.index_cast %mul3A_143 : i32 to index
      %swap3A_145 = tpu.vector_load %arg9[%swap3A_144] {strides = array<i32>} : memref<40000xf32, #tpu.memory_space<vmem>>, vector<16xf32>,
      tpu.vector_store %arg9[%swap3A_144], %broadcast_in_dim3A_3 {strides = array<i32>} : memref<40000xf32, #tpu.memory_space<vmem>>, vector<16xf32>,
      %scan3A_146 = arith.constant 7 : i32
      %scan3A_147 = arith.addi %scan3A_77, %scan3A_146 : i32
      %mul3A_148 = arith.constant 1 : i32
      %mul3A_149 = arith.muli %scan3A_147, %mul3A_148 : i32
      %add3A_150 = arith.constant 0 : i32
      %add3A_151 = arith.addi %add3A_150, %mul3A_149 : i32
      %mul3A_152 = arith.constant 16 : i32
      %mul3A_153 = arith.muli %add3A_151, %mul3A_152 : i32
      %swap3A_154 = arith.index_cast %mul3A_153 : i32 to index
      %swap3A_155 = tpu.vector_load %arg9[%swap3A_154] {strides = array<i32>} : memref<40000xf32, #tpu.memory_space<vmem>>, vector<16xf32>,
      tpu.vector_store %arg9[%swap3A_154], %broadcast_in_dim3A_3 {strides = array<i32>} : memref<40000xf32, #tpu.memory_space<vmem>>, vector<16xf32>,
    }
    %scan3A_7 = arith.constant 2496 : i32
    %scan3A_8 = arith.addi %scan3A, %scan3A_7 : i32
    %mul3A_9 = arith.constant 1 : i32
    %mul3A_10 = arith.muli %scan3A_8, %mul3A_9 : i32
    %add3A_11 = arith.constant 0 : i32
    %add3A_12 = arith.addi %add3A_11, %mul3A_10 : i32
    %mul3A_13 = arith.constant 16 : i32
    %mul3A_14 = arith.muli %add3A_12, %mul3A_13 : i32
    %swap3A = arith.index_cast %mul3A_14 : i32 to index
    %swap3A_15 = tpu.vector_load %arg9[%swap3A] {strides = array<i32>} : memref<40000xf32, #tpu.memory_space<vmem>>, vector<16xf32>,
    tpu.vector_store %arg9[%swap3A], %broadcast_in_dim3A_3 {strides = array<i32>} : memref<40000xf32, #tpu.memory_space<vmem>>, vector<16xf32>,
    %scan3A_16 = arith.constant 2497 : i32
    %scan3A_17 = arith.addi %scan3A, %scan3A_16 : i32
    %mul3A_18 = arith.constant 1 : i32
    %mul3A_19 = arith.muli %scan3A_17, %mul3A_18 : i32
    %add3A_20 = arith.constant 0 : i32
    %add3A_21 = arith.addi %add3A_20, %mul3A_19 : i32
    %mul3A_22 = arith.constant 16 : i32
    %mul3A_23 = arith.muli %add3A_21, %mul3A_22 : i32
    %swap3A_24 = arith.index_cast %mul3A_23 : i32 to index
    %swap3A_25 = tpu.vector_load %arg9[%swap3A_24] {strides = array<i32>} : memref<40000xf32, #tpu.memory_space<vmem>>, vector<16xf32>,
    tpu.vector_store %arg9[%swap3A_24], %broadcast_in_dim3A_3 {strides = array<i32>} : memref<40000xf32, #tpu.memory_space<vmem>>, vector<16xf32>,
    %scan3A_26 = arith.constant 2498 : i32
    %scan3A_27 = arith.addi %scan3A, %scan3A_26 : i32
    %mul3A_28 = arith.constant 1 : i32
    %mul3A_29 = arith.muli %scan3A_27, %mul3A_28 : i32
    %add3A_30 = arith.constant 0 : i32
    %add3A_31 = arith.addi %add3A_30, %mul3A_29 : i32
    %mul3A_32 = arith.constant 16 : i32
    %mul3A_33 = arith.muli %add3A_31, %mul3A_32 : i32
    %swap3A_34 = arith.index_cast %mul3A_33 : i32 to index
    %swap3A_35 = tpu.vector_load %arg9[%swap3A_34] {strides = array<i32>} : memref<40000xf32, #tpu.memory_space<vmem>>, vector<16xf32>,
    tpu.vector_store %arg9[%swap3A_34], %broadcast_in_dim3A_3 {strides = array<i32>} : memref<40000xf32, #tpu.memory_space<vmem>>, vector<16xf32>,
    %scan3A_36 = arith.constant 2499 : i32
    %scan3A_37 = arith.addi %scan3A, %scan3A_36 : i32
    %mul3A_38 = arith.constant 1 : i32
    %mul3A_39 = arith.muli %scan3A_37, %mul3A_38 : i32
    %add3A_40 = arith.constant 0 : i32
    %add3A_41 = arith.addi %add3A_40, %mul3A_39 : i32
    %mul3A_42 = arith.constant 16 : i32
    %mul3A_43 = arith.muli %add3A_41, %mul3A_42 : i32
    %swap3A_44 = arith.index_cast %mul3A_43 : i32 to index
    %swap3A_45 = tpu.vector_load %arg9[%swap3A_44] {strides = array<i32>} : memref<40000xf32, #tpu.memory_space<vmem>>, vector<16xf32>,
    tpu.vector_store %arg9[%swap3A_44], %broadcast_in_dim3A_3 {strides = array<i32>} : memref<40000xf32, #tpu.memory_space<vmem>>, vector<16xf32>,
    %scan3A_46 = arith.constant 2500 : i32
    %broadcast_in_dim3A_47 = arith.constant 1.000000e+00 : f32
    %broadcast_in_dim3A_48 = vector.broadcast %broadcast_in_dim3A_47 : f32 to vector<16xf32>
    %iota3A = tpu.iota {dimensions = array<i32: 0>} : vector<16xi32>
    %add3A_49 = arith.constant 0 : i32
    %add3A_50 = arith.addi %mul3A_2, %add3A_49 : i32
    %dma_start3A = arith.constant 0 : i32
    %dma_start3A_51 = tpu.memref_slice %arg2[%add3A_50] : memref<2097152xf32, #tpu.memory_space<hbm>> -> memref<8192xf32, #tpu.memory_space<hbm>>
    %dma_start3A_52 = tpu.memref_slice %arg10[%dma_start3A] : memref<2x!tpu.dma_semaphore, #tpu.memory_space<semaphore_mem>> -> memref<1x!tpu.dma_semaphore, #tpu.memory_space<semaphore_mem>>
    %dma_start3A_53 = tpu.memref_squeeze %dma_start3A_52 : memref<1x!tpu.dma_semaphore, #tpu.memory_space<semaphore_mem>> -> memref<!tpu.dma_semaphore, #tpu.memory_space<semaphore_mem>>
    %dma_start3A_54 = tpu.memref_slice %arg2[%add3A_50] : memref<2097152xf32, #tpu.memory_space<hbm>> -> memref<8192xf32, #tpu.memory_space<hbm>>
    tpu.enqueue_dma source(%dma_start3A_54 : memref<8192xf32, #tpu.memory_space<hbm>>) target(%arg5 : memref<8192xf32, #tpu.memory_space<vmem>>) target_semaphore(%dma_start3A_53 : memref<!tpu.dma_semaphore, #tpu.memory_space<semaphore_mem>>)
    %dma_start3A_55 = arith.constant 0 : i32
    %dma_start3A_56 = tpu.memref_slice %arg3[%add3A_50] : memref<2097152xf32, #tpu.memory_space<hbm>> -> memref<8192xf32, #tpu.memory_space<hbm>>
    %dma_start3A_57 = tpu.memref_slice %arg10[%dma_start3A_55] : memref<2x!tpu.dma_semaphore, #tpu.memory_space<semaphore_mem>> -> memref<1x!tpu.dma_semaphore, #tpu.memory_space<semaphore_mem>>
    %dma_start3A_58 = tpu.memref_squeeze %dma_start3A_57 : memref<1x!tpu.dma_semaphore, #tpu.memory_space<semaphore_mem>> -> memref<!tpu.dma_semaphore, #tpu.memory_space<semaphore_mem>>
    %dma_start3A_59 = tpu.memref_slice %arg3[%add3A_50] : memref<2097152xf32, #tpu.memory_space<hbm>> -> memref<8192xf32, #tpu.memory_space<hbm>>
    tpu.enqueue_dma source(%dma_start3A_59 : memref<8192xf32, #tpu.memory_space<hbm>>) target(%arg6 : memref<8192xf32, #tpu.memory_space<vmem>>) target_semaphore(%dma_start3A_58 : memref<!tpu.dma_semaphore, #tpu.memory_space<semaphore_mem>>)
    %add3A_60 = arith.constant 8192 : i32
    %add3A_61 = arith.addi %mul3A_2, %add3A_60 : i32
    %dma_start3A_62 = arith.constant 1 : i32
    %dma_start3A_63 = tpu.memref_slice %arg2[%add3A_61] : memref<2097152xf32, #tpu.memory_space<hbm>> -> memref<8192xf32, #tpu.memory_space<hbm>>
    %dma_start3A_64 = tpu.memref_slice %arg10[%dma_start3A_62] : memref<2x!tpu.dma_semaphore, #tpu.memory_space<semaphore_mem>> -> memref<1x!tpu.dma_semaphore, #tpu.memory_space<semaphore_mem>>
    %dma_start3A_65 = tpu.memref_squeeze %dma_start3A_64 : memref<1x!tpu.dma_semaphore, #tpu.memory_space<semaphore_mem>> -> memref<!tpu.dma_semaphore, #tpu.memory_space<semaphore_mem>>
    %dma_start3A_66 = tpu.memref_slice %arg2[%add3A_61] : memref<2097152xf32, #tpu.memory_space<hbm>> -> memref<8192xf32, #tpu.memory_space<hbm>>
    tpu.enqueue_dma source(%dma_start3A_66 : memref<8192xf32, #tpu.memory_space<hbm>>) target(%arg7 : memref<8192xf32, #tpu.memory_space<vmem>>) target_semaphore(%dma_start3A_65 : memref<!tpu.dma_semaphore, #tpu.memory_space<semaphore_mem>>)
    %dma_start3A_67 = arith.constant 1 : i32
    %dma_start3A_68 = tpu.memref_slice %arg3[%add3A_61] : memref<2097152xf32, #tpu.memory_space<hbm>> -> memref<8192xf32, #tpu.memory_space<hbm>>
    %dma_start3A_69 = tpu.memref_slice %arg10[%dma_start3A_67] : memref<2x!tpu.dma_semaphore, #tpu.memory_space<semaphore_mem>> -> memref<1x!tpu.dma_semaphore, #tpu.memory_space<semaphore_mem>>
    %dma_start3A_70 = tpu.memref_squeeze %dma_start3A_69 : memref<1x!tpu.dma_semaphore, #tpu.memory_space<semaphore_mem>> -> memref<!tpu.dma_semaphore, #tpu.memory_space<semaphore_mem>>
    %dma_start3A_71 = tpu.memref_slice %arg3[%add3A_61] : memref<2097152xf32, #tpu.memory_space<hbm>> -> memref<8192xf32, #tpu.memory_space<hbm>>
    tpu.enqueue_dma source(%dma_start3A_71 : memref<8192xf32, #tpu.memory_space<hbm>>) target(%arg8 : memref<8192xf32, #tpu.memory_space<vmem>>) target_semaphore(%dma_start3A_70 : memref<!tpu.dma_semaphore, #tpu.memory_space<semaphore_mem>>)
    %scan3A_72 = arith.constant 0 : i32
    %scan3A_73 = arith.constant 4 : i32
    %scan3A_74 = arith.addi %scan3A_72, %scan3A_73 : i32
    %scan3A_75 = arith.constant 1 : i32
    scf.for %scan3A_77 = %scan3A_72 to %scan3A_74 step %scan3A_75  : i32 {
      %mul3A_78 = arith.constant 2 : i32
      %mul3A_79 = arith.muli %scan3A_77, %mul3A_78 : i32
      %add3A_80 = arith.constant 0 : i32
      %add3A_81 = arith.addi %add3A_80, %mul3A_79 : i32
      %dma_wait3A = arith.constant 0 : i32
      %dma_wait3A_82 = arith.constant 0 : i32
      %dma_wait3A_83 = tpu.memref_slice %arg2[%dma_wait3A_82] : memref<2097152xf32, #tpu.memory_space<hbm>> -> memref<8192xf32, #tpu.memory_space<hbm>>
      %dma_wait3A_84 = tpu.memref_slice %arg10[%dma_wait3A] : memref<2x!tpu.dma_semaphore, #tpu.memory_space<semaphore_mem>> -> memref<1x!tpu.dma_semaphore, #tpu.memory_space<semaphore_mem>>
      %dma_wait3A_85 = tpu.memref_squeeze %dma_wait3A_84 : memref<1x!tpu.dma_semaphore, #tpu.memory_space<semaphore_mem>> -> memref<!tpu.dma_semaphore, #tpu.memory_space<semaphore_mem>>
      %dma_wait3A_86 = arith.constant 0 : i32
      %dma_wait3A_87 = tpu.memref_slice %arg2[%dma_wait3A_86] : memref<2097152xf32, #tpu.memory_space<hbm>> -> memref<8192xf32, #tpu.memory_space<hbm>>
      tpu.wait_dma2 semaphore(%dma_wait3A_85 : memref<!tpu.dma_semaphore, #tpu.memory_space<semaphore_mem>>) src(%dma_wait3A_87 : memref<8192xf32, #tpu.memory_space<hbm>>) dst(%arg5 : memref<8192xf32, #tpu.memory_space<vmem>>)
      %dma_wait3A_88 = arith.constant 0 : i32
      %dma_wait3A_89 = arith.constant 0 : i32
      %dma_wait3A_90 = tpu.memref_slice %arg3[%dma_wait3A_89] : memref<2097152xf32, #tpu.memory_space<hbm>> -> memref<8192xf32, #tpu.memory_space<hbm>>
      %dma_wait3A_91 = tpu.memref_slice %arg10[%dma_wait3A_88] : memref<2x!tpu.dma_semaphore, #tpu.memory_space<semaphore_mem>> -> memref<1x!tpu.dma_semaphore, #tpu.memory_space<semaphore_mem>>
      %dma_wait3A_92 = tpu.memref_squeeze %dma_wait3A_91 : memref<1x!tpu.dma_semaphore, #tpu.memory_space<semaphore_mem>> -> memref<!tpu.dma_semaphore, #tpu.memory_space<semaphore_mem>>
      %dma_wait3A_93 = arith.constant 0 : i32
      %dma_wait3A_94 = tpu.memref_slice %arg3[%dma_wait3A_93] : memref<2097152xf32, #tpu.memory_space<hbm>> -> memref<8192xf32, #tpu.memory_space<hbm>>
      tpu.wait_dma2 semaphore(%dma_wait3A_92 : memref<!tpu.dma_semaphore, #tpu.memory_space<semaphore_mem>>) src(%dma_wait3A_94 : memref<8192xf32, #tpu.memory_space<hbm>>) dst(%arg6 : memref<8192xf32, #tpu.memory_space<vmem>>)
      %mul3A_95 = arith.constant 8192 : i32
      %mul3A_96 = arith.muli %add3A_81, %mul3A_95 : i32
      %add3A_97 = arith.addi %mul3A_2, %mul3A_96 : i32
      %sub3A = arith.constant 2025000 : i32
      %sub3A_98 = arith.subi %sub3A, %add3A_97 : i32
      %ge3A = arith.constant 8192 : i32
      %ge3A_99 = arith.cmpi sge, %sub3A_98, %ge3A : i32
      %convert_element_type3A = arith.extui %ge3A_99 : i1 to i32
      %cond3A = arith.constant 0 : i32
      %cond3A_100 = arith.cmpi ne, %convert_element_type3A, %cond3A : i32
      scf.if %cond3A_100 {
        %parallel_loop3A = arith.constant 0 : i32
        %parallel_loop3A_150 = arith.constant 512 : i32
        %parallel_loop3A_151 = arith.constant 1 : i32
        scf.for %parallel_loop3A_152 = %parallel_loop3A to %parallel_loop3A_150 step %parallel_loop3A_151  : i32 {
          %parallel_loop3A_153 = arith.constant 16 : i32
          %parallel_loop3A_154 = arith.muli %parallel_loop3A_152, %parallel_loop3A_153 : i32
          %parallel_loop3A_155 = arith.index_cast %parallel_loop3A_154 : i32 to index
          %parallel_loop3A_156 = tpu.vector_load %arg5[%parallel_loop3A_155] {strides = array<i32>} : memref<8192xf32, #tpu.memory_space<vmem>>, vector<16xf32>,
          %parallel_loop3A_157 = arith.index_cast %parallel_loop3A_154 : i32 to index
          %parallel_loop3A_158 = tpu.vector_load %arg6[%parallel_loop3A_157] {strides = array<i32>} : memref<8192xf32, #tpu.memory_space<vmem>>, vector<16xf32>,
          %parallel_loop3A_159 = arith.constant 0.000000e+00 : f32
          %parallel_loop3A_160 = arith.constant 1.990000e+02 : f32
          %parallel_loop3A_161 = vector.broadcast %parallel_loop3A_159 : f32 to vector<16xf32>
          %parallel_loop3A_162 = arith.maximumf %parallel_loop3A_161, %parallel_loop3A_156 : vector<16xf32>
          %parallel_loop3A_163 = vector.broadcast %parallel_loop3A_160 : f32 to vector<16xf32>
          %parallel_loop3A_164 = arith.minimumf %parallel_loop3A_163, %parallel_loop3A_162 : vector<16xf32>
          %parallel_loop3A_165 = arith.constant 0.000000e+00 : f32
          %parallel_loop3A_166 = arith.constant 1.990000e+02 : f32
          %parallel_loop3A_167 = vector.broadcast %parallel_loop3A_165 : f32 to vector<16xf32>
          %parallel_loop3A_168 = arith.maximumf %parallel_loop3A_167, %parallel_loop3A_158 : vector<16xf32>
          %parallel_loop3A_169 = vector.broadcast %parallel_loop3A_166 : f32 to vector<16xf32>
          %parallel_loop3A_170 = arith.minimumf %parallel_loop3A_169, %parallel_loop3A_168 : vector<16xf32>
          %parallel_loop3A_171 = arith.constant 5.000000e-01 : f32
          %parallel_loop3A_172 = vector.broadcast %parallel_loop3A_171 : f32 to vector<16xf32>
          %parallel_loop3A_173 = arith.addf %parallel_loop3A_164, %parallel_loop3A_172 : vector<16xf32>
          %parallel_loop3A_174 = arith.fptosi %parallel_loop3A_173 : vector<16xf32> to vector<16xi32>
          %parallel_loop3A_175 = arith.constant 5.000000e-01 : f32
          %parallel_loop3A_176 = vector.broadcast %parallel_loop3A_175 : f32 to vector<16xf32>
          %parallel_loop3A_177 = arith.addf %parallel_loop3A_170, %parallel_loop3A_176 : vector<16xf32>
          %parallel_loop3A_178 = arith.fptosi %parallel_loop3A_177 : vector<16xf32> to vector<16xi32>
          %parallel_loop3A_179 = arith.constant 200 : i32
          %parallel_loop3A_180 = vector.broadcast %parallel_loop3A_179 : i32 to vector<16xi32>
          %parallel_loop3A_181 = arith.muli %parallel_loop3A_174, %parallel_loop3A_180 : vector<16xi32>
          %parallel_loop3A_182 = arith.addi %parallel_loop3A_181, %parallel_loop3A_178 : vector<16xi32>
          tpu.vector_store_idx %arg9[%parallel_loop3A_182], %broadcast_in_dim3A_48 {add = true} : memref<40000xf32, #tpu.memory_space<vmem>>[vector<16xi32>], vector<16xf32>,
        } {sc.loop_unroll_factor = 8 : i64, sc.parallel_access}
      } else {
      }
      %lt3A = arith.constant 8192 : i32
      %lt3A_101 = arith.cmpi slt, %sub3A_98, %lt3A : i32
      %convert_element_type3A_102 = arith.extui %lt3A_101 : i1 to i32
      %cond3A_103 = arith.constant 0 : i32
      %cond3A_104 = arith.cmpi ne, %convert_element_type3A_102, %cond3A_103 : i32
      scf.if %cond3A_104 {
        %parallel_loop3A = arith.constant 0 : i32
        %parallel_loop3A_150 = arith.constant 512 : i32
        %parallel_loop3A_151 = arith.constant 1 : i32
        scf.for %parallel_loop3A_152 = %parallel_loop3A to %parallel_loop3A_150 step %parallel_loop3A_151  : i32 {
          %parallel_loop3A_153 = arith.constant 16 : i32
          %parallel_loop3A_154 = arith.muli %parallel_loop3A_152, %parallel_loop3A_153 : i32
          %parallel_loop3A_155 = arith.index_cast %parallel_loop3A_154 : i32 to index
          %parallel_loop3A_156 = tpu.vector_load %arg5[%parallel_loop3A_155] {strides = array<i32>} : memref<8192xf32, #tpu.memory_space<vmem>>, vector<16xf32>,
          %parallel_loop3A_157 = arith.index_cast %parallel_loop3A_154 : i32 to index
          %parallel_loop3A_158 = tpu.vector_load %arg6[%parallel_loop3A_157] {strides = array<i32>} : memref<8192xf32, #tpu.memory_space<vmem>>, vector<16xf32>,
          %parallel_loop3A_159 = arith.constant 0.000000e+00 : f32
          %parallel_loop3A_160 = arith.constant 1.990000e+02 : f32
          %parallel_loop3A_161 = vector.broadcast %parallel_loop3A_159 : f32 to vector<16xf32>
          %parallel_loop3A_162 = arith.maximumf %parallel_loop3A_161, %parallel_loop3A_156 : vector<16xf32>
          %parallel_loop3A_163 = vector.broadcast %parallel_loop3A_160 : f32 to vector<16xf32>
          %parallel_loop3A_164 = arith.minimumf %parallel_loop3A_163, %parallel_loop3A_162 : vector<16xf32>
          %parallel_loop3A_165 = arith.constant 0.000000e+00 : f32
          %parallel_loop3A_166 = arith.constant 1.990000e+02 : f32
          %parallel_loop3A_167 = vector.broadcast %parallel_loop3A_165 : f32 to vector<16xf32>
          %parallel_loop3A_168 = arith.maximumf %parallel_loop3A_167, %parallel_loop3A_158 : vector<16xf32>
          %parallel_loop3A_169 = vector.broadcast %parallel_loop3A_166 : f32 to vector<16xf32>
          %parallel_loop3A_170 = arith.minimumf %parallel_loop3A_169, %parallel_loop3A_168 : vector<16xf32>
          %parallel_loop3A_171 = arith.constant 5.000000e-01 : f32
          %parallel_loop3A_172 = vector.broadcast %parallel_loop3A_171 : f32 to vector<16xf32>
          %parallel_loop3A_173 = arith.addf %parallel_loop3A_164, %parallel_loop3A_172 : vector<16xf32>
          %parallel_loop3A_174 = arith.fptosi %parallel_loop3A_173 : vector<16xf32> to vector<16xi32>
          %parallel_loop3A_175 = arith.constant 5.000000e-01 : f32
          %parallel_loop3A_176 = vector.broadcast %parallel_loop3A_175 : f32 to vector<16xf32>
          %parallel_loop3A_177 = arith.addf %parallel_loop3A_170, %parallel_loop3A_176 : vector<16xf32>
          %parallel_loop3A_178 = arith.fptosi %parallel_loop3A_177 : vector<16xf32> to vector<16xi32>
          %parallel_loop3A_179 = arith.constant 200 : i32
          %parallel_loop3A_180 = vector.broadcast %parallel_loop3A_179 : i32 to vector<16xi32>
          %parallel_loop3A_181 = arith.muli %parallel_loop3A_174, %parallel_loop3A_180 : vector<16xi32>
          %parallel_loop3A_182 = arith.addi %parallel_loop3A_181, %parallel_loop3A_178 : vector<16xi32>
          %parallel_loop3A_183 = arith.constant 16 : i32
          %parallel_loop3A_184 = arith.muli %parallel_loop3A_152, %parallel_loop3A_183 : i32
          %parallel_loop3A_185 = vector.broadcast %parallel_loop3A_184 : i32 to vector<16xi32>
          %parallel_loop3A_186 = arith.addi %iota3A, %parallel_loop3A_185 : vector<16xi32>
          %parallel_loop3A_187 = vector.broadcast %sub3A_98 : i32 to vector<16xi32>
          %parallel_loop3A_188 = arith.cmpi slt, %parallel_loop3A_186, %parallel_loop3A_187 : vector<16xi32>
          tpu.vector_store_idx %arg9[%parallel_loop3A_182], %broadcast_in_dim3A_48 masked %parallel_loop3A_188 {add = true} : memref<40000xf32, #tpu.memory_space<vmem>>[vector<16xi32>], vector<16xf32>, vector<16xi1>
        } {sc.loop_unroll_factor = 8 : i64, sc.parallel_access}
      } else {
      }
      %add3A_105 = arith.constant 2 : i32
      %add3A_106 = arith.addi %add3A_81, %add3A_105 : i32
      %lt3A_107 = arith.constant 8 : i32
      %lt3A_108 = arith.cmpi slt, %add3A_106, %lt3A_107 : i32
      %convert_element_type3A_109 = arith.extui %lt3A_108 : i1 to i32
      %cond3A_110 = arith.constant 0 : i32
      %cond3A_111 = arith.cmpi ne, %convert_element_type3A_109, %cond3A_110 : i32
      scf.if %cond3A_111 {
        %add3A_150 = arith.constant 2 : i32
        %add3A_151 = arith.addi %add3A_81, %add3A_150 : i32
        %mul3A_152 = arith.constant 8192 : i32
        %mul3A_153 = arith.muli %add3A_151, %mul3A_152 : i32
        %add3A_154 = arith.addi %mul3A_2, %mul3A_153 : i32
        %dma_start3A_155 = arith.constant 0 : i32
        %dma_start3A_156 = tpu.memref_slice %arg2[%add3A_154] : memref<2097152xf32, #tpu.memory_space<hbm>> -> memref<8192xf32, #tpu.memory_space<hbm>>
        %dma_start3A_157 = tpu.memref_slice %arg10[%dma_start3A_155] : memref<2x!tpu.dma_semaphore, #tpu.memory_space<semaphore_mem>> -> memref<1x!tpu.dma_semaphore, #tpu.memory_space<semaphore_mem>>
        %dma_start3A_158 = tpu.memref_squeeze %dma_start3A_157 : memref<1x!tpu.dma_semaphore, #tpu.memory_space<semaphore_mem>> -> memref<!tpu.dma_semaphore, #tpu.memory_space<semaphore_mem>>
        %dma_start3A_159 = tpu.memref_slice %arg2[%add3A_154] : memref<2097152xf32, #tpu.memory_space<hbm>> -> memref<8192xf32, #tpu.memory_space<hbm>>
        tpu.enqueue_dma source(%dma_start3A_159 : memref<8192xf32, #tpu.memory_space<hbm>>) target(%arg5 : memref<8192xf32, #tpu.memory_space<vmem>>) target_semaphore(%dma_start3A_158 : memref<!tpu.dma_semaphore, #tpu.memory_space<semaphore_mem>>)
        %dma_start3A_160 = arith.constant 0 : i32
        %dma_start3A_161 = tpu.memref_slice %arg3[%add3A_154] : memref<2097152xf32, #tpu.memory_space<hbm>> -> memref<8192xf32, #tpu.memory_space<hbm>>
        %dma_start3A_162 = tpu.memref_slice %arg10[%dma_start3A_160] : memref<2x!tpu.dma_semaphore, #tpu.memory_space<semaphore_mem>> -> memref<1x!tpu.dma_semaphore, #tpu.memory_space<semaphore_mem>>
        %dma_start3A_163 = tpu.memref_squeeze %dma_start3A_162 : memref<1x!tpu.dma_semaphore, #tpu.memory_space<semaphore_mem>> -> memref<!tpu.dma_semaphore, #tpu.memory_space<semaphore_mem>>
        %dma_start3A_164 = tpu.memref_slice %arg3[%add3A_154] : memref<2097152xf32, #tpu.memory_space<hbm>> -> memref<8192xf32, #tpu.memory_space<hbm>>
        tpu.enqueue_dma source(%dma_start3A_164 : memref<8192xf32, #tpu.memory_space<hbm>>) target(%arg6 : memref<8192xf32, #tpu.memory_space<vmem>>) target_semaphore(%dma_start3A_163 : memref<!tpu.dma_semaphore, #tpu.memory_space<semaphore_mem>>)
      } else {
      }
      %add3A_112 = arith.constant 1 : i32
      %add3A_113 = arith.addi %add3A_81, %add3A_112 : i32
      %dma_wait3A_114 = arith.constant 1 : i32
      %dma_wait3A_115 = arith.constant 0 : i32
      %dma_wait3A_116 = tpu.memref_slice %arg2[%dma_wait3A_115] : memref<2097152xf32, #tpu.memory_space<hbm>> -> memref<8192xf32, #tpu.memory_space<hbm>>
      %dma_wait3A_117 = tpu.memref_slice %arg10[%dma_wait3A_114] : memref<2x!tpu.dma_semaphore, #tpu.memory_space<semaphore_mem>> -> memref<1x!tpu.dma_semaphore, #tpu.memory_space<semaphore_mem>>
      %dma_wait3A_118 = tpu.memref_squeeze %dma_wait3A_117 : memref<1x!tpu.dma_semaphore, #tpu.memory_space<semaphore_mem>> -> memref<!tpu.dma_semaphore, #tpu.memory_space<semaphore_mem>>
      %dma_wait3A_119 = arith.constant 0 : i32
      %dma_wait3A_120 = tpu.memref_slice %arg2[%dma_wait3A_119] : memref<2097152xf32, #tpu.memory_space<hbm>> -> memref<8192xf32, #tpu.memory_space<hbm>>
      tpu.wait_dma2 semaphore(%dma_wait3A_118 : memref<!tpu.dma_semaphore, #tpu.memory_space<semaphore_mem>>) src(%dma_wait3A_120 : memref<8192xf32, #tpu.memory_space<hbm>>) dst(%arg7 : memref<8192xf32, #tpu.memory_space<vmem>>)
      %dma_wait3A_121 = arith.constant 1 : i32
      %dma_wait3A_122 = arith.constant 0 : i32
      %dma_wait3A_123 = tpu.memref_slice %arg3[%dma_wait3A_122] : memref<2097152xf32, #tpu.memory_space<hbm>> -> memref<8192xf32, #tpu.memory_space<hbm>>
      %dma_wait3A_124 = tpu.memref_slice %arg10[%dma_wait3A_121] : memref<2x!tpu.dma_semaphore, #tpu.memory_space<semaphore_mem>> -> memref<1x!tpu.dma_semaphore, #tpu.memory_space<semaphore_mem>>
      %dma_wait3A_125 = tpu.memref_squeeze %dma_wait3A_124 : memref<1x!tpu.dma_semaphore, #tpu.memory_space<semaphore_mem>> -> memref<!tpu.dma_semaphore, #tpu.memory_space<semaphore_mem>>
      %dma_wait3A_126 = arith.constant 0 : i32
      %dma_wait3A_127 = tpu.memref_slice %arg3[%dma_wait3A_126] : memref<2097152xf32, #tpu.memory_space<hbm>> -> memref<8192xf32, #tpu.memory_space<hbm>>
      tpu.wait_dma2 semaphore(%dma_wait3A_125 : memref<!tpu.dma_semaphore, #tpu.memory_space<semaphore_mem>>) src(%dma_wait3A_127 : memref<8192xf32, #tpu.memory_space<hbm>>) dst(%arg8 : memref<8192xf32, #tpu.memory_space<vmem>>)
      %mul3A_128 = arith.constant 8192 : i32
      %mul3A_129 = arith.muli %add3A_113, %mul3A_128 : i32
      %add3A_130 = arith.addi %mul3A_2, %mul3A_129 : i32
      %sub3A_131 = arith.constant 2025000 : i32
      %sub3A_132 = arith.subi %sub3A_131, %add3A_130 : i32
      %ge3A_133 = arith.constant 8192 : i32
      %ge3A_134 = arith.cmpi sge, %sub3A_132, %ge3A_133 : i32
      %convert_element_type3A_135 = arith.extui %ge3A_134 : i1 to i32
      %cond3A_136 = arith.constant 0 : i32
      %cond3A_137 = arith.cmpi ne, %convert_element_type3A_135, %cond3A_136 : i32
      scf.if %cond3A_137 {
        %parallel_loop3A = arith.constant 0 : i32
        %parallel_loop3A_150 = arith.constant 512 : i32
        %parallel_loop3A_151 = arith.constant 1 : i32
        scf.for %parallel_loop3A_152 = %parallel_loop3A to %parallel_loop3A_150 step %parallel_loop3A_151  : i32 {
          %parallel_loop3A_153 = arith.constant 16 : i32
          %parallel_loop3A_154 = arith.muli %parallel_loop3A_152, %parallel_loop3A_153 : i32
          %parallel_loop3A_155 = arith.index_cast %parallel_loop3A_154 : i32 to index
          %parallel_loop3A_156 = tpu.vector_load %arg7[%parallel_loop3A_155] {strides = array<i32>} : memref<8192xf32, #tpu.memory_space<vmem>>, vector<16xf32>,
          %parallel_loop3A_157 = arith.index_cast %parallel_loop3A_154 : i32 to index
          %parallel_loop3A_158 = tpu.vector_load %arg8[%parallel_loop3A_157] {strides = array<i32>} : memref<8192xf32, #tpu.memory_space<vmem>>, vector<16xf32>,
          %parallel_loop3A_159 = arith.constant 0.000000e+00 : f32
          %parallel_loop3A_160 = arith.constant 1.990000e+02 : f32
          %parallel_loop3A_161 = vector.broadcast %parallel_loop3A_159 : f32 to vector<16xf32>
          %parallel_loop3A_162 = arith.maximumf %parallel_loop3A_161, %parallel_loop3A_156 : vector<16xf32>
          %parallel_loop3A_163 = vector.broadcast %parallel_loop3A_160 : f32 to vector<16xf32>
          %parallel_loop3A_164 = arith.minimumf %parallel_loop3A_163, %parallel_loop3A_162 : vector<16xf32>
          %parallel_loop3A_165 = arith.constant 0.000000e+00 : f32
          %parallel_loop3A_166 = arith.constant 1.990000e+02 : f32
          %parallel_loop3A_167 = vector.broadcast %parallel_loop3A_165 : f32 to vector<16xf32>
          %parallel_loop3A_168 = arith.maximumf %parallel_loop3A_167, %parallel_loop3A_158 : vector<16xf32>
          %parallel_loop3A_169 = vector.broadcast %parallel_loop3A_166 : f32 to vector<16xf32>
          %parallel_loop3A_170 = arith.minimumf %parallel_loop3A_169, %parallel_loop3A_168 : vector<16xf32>
          %parallel_loop3A_171 = arith.constant 5.000000e-01 : f32
          %parallel_loop3A_172 = vector.broadcast %parallel_loop3A_171 : f32 to vector<16xf32>
          %parallel_loop3A_173 = arith.addf %parallel_loop3A_164, %parallel_loop3A_172 : vector<16xf32>
          %parallel_loop3A_174 = arith.fptosi %parallel_loop3A_173 : vector<16xf32> to vector<16xi32>
          %parallel_loop3A_175 = arith.constant 5.000000e-01 : f32
          %parallel_loop3A_176 = vector.broadcast %parallel_loop3A_175 : f32 to vector<16xf32>
          %parallel_loop3A_177 = arith.addf %parallel_loop3A_170, %parallel_loop3A_176 : vector<16xf32>
          %parallel_loop3A_178 = arith.fptosi %parallel_loop3A_177 : vector<16xf32> to vector<16xi32>
          %parallel_loop3A_179 = arith.constant 200 : i32
          %parallel_loop3A_180 = vector.broadcast %parallel_loop3A_179 : i32 to vector<16xi32>
          %parallel_loop3A_181 = arith.muli %parallel_loop3A_174, %parallel_loop3A_180 : vector<16xi32>
          %parallel_loop3A_182 = arith.addi %parallel_loop3A_181, %parallel_loop3A_178 : vector<16xi32>
          tpu.vector_store_idx %arg9[%parallel_loop3A_182], %broadcast_in_dim3A_48 {add = true} : memref<40000xf32, #tpu.memory_space<vmem>>[vector<16xi32>], vector<16xf32>,
        } {sc.loop_unroll_factor = 8 : i64, sc.parallel_access}
      } else {
      }
      %lt3A_138 = arith.constant 8192 : i32
      %lt3A_139 = arith.cmpi slt, %sub3A_132, %lt3A_138 : i32
      %convert_element_type3A_140 = arith.extui %lt3A_139 : i1 to i32
      %cond3A_141 = arith.constant 0 : i32
      %cond3A_142 = arith.cmpi ne, %convert_element_type3A_140, %cond3A_141 : i32
      scf.if %cond3A_142 {
        %parallel_loop3A = arith.constant 0 : i32
        %parallel_loop3A_150 = arith.constant 512 : i32
        %parallel_loop3A_151 = arith.constant 1 : i32
        scf.for %parallel_loop3A_152 = %parallel_loop3A to %parallel_loop3A_150 step %parallel_loop3A_151  : i32 {
          %parallel_loop3A_153 = arith.constant 16 : i32
          %parallel_loop3A_154 = arith.muli %parallel_loop3A_152, %parallel_loop3A_153 : i32
          %parallel_loop3A_155 = arith.index_cast %parallel_loop3A_154 : i32 to index
          %parallel_loop3A_156 = tpu.vector_load %arg7[%parallel_loop3A_155] {strides = array<i32>} : memref<8192xf32, #tpu.memory_space<vmem>>, vector<16xf32>,
          %parallel_loop3A_157 = arith.index_cast %parallel_loop3A_154 : i32 to index
          %parallel_loop3A_158 = tpu.vector_load %arg8[%parallel_loop3A_157] {strides = array<i32>} : memref<8192xf32, #tpu.memory_space<vmem>>, vector<16xf32>,
          %parallel_loop3A_159 = arith.constant 0.000000e+00 : f32
          %parallel_loop3A_160 = arith.constant 1.990000e+02 : f32
          %parallel_loop3A_161 = vector.broadcast %parallel_loop3A_159 : f32 to vector<16xf32>
          %parallel_loop3A_162 = arith.maximumf %parallel_loop3A_161, %parallel_loop3A_156 : vector<16xf32>
          %parallel_loop3A_163 = vector.broadcast %parallel_loop3A_160 : f32 to vector<16xf32>
          %parallel_loop3A_164 = arith.minimumf %parallel_loop3A_163, %parallel_loop3A_162 : vector<16xf32>
          %parallel_loop3A_165 = arith.constant 0.000000e+00 : f32
          %parallel_loop3A_166 = arith.constant 1.990000e+02 : f32
          %parallel_loop3A_167 = vector.broadcast %parallel_loop3A_165 : f32 to vector<16xf32>
          %parallel_loop3A_168 = arith.maximumf %parallel_loop3A_167, %parallel_loop3A_158 : vector<16xf32>
          %parallel_loop3A_169 = vector.broadcast %parallel_loop3A_166 : f32 to vector<16xf32>
          %parallel_loop3A_170 = arith.minimumf %parallel_loop3A_169, %parallel_loop3A_168 : vector<16xf32>
          %parallel_loop3A_171 = arith.constant 5.000000e-01 : f32
          %parallel_loop3A_172 = vector.broadcast %parallel_loop3A_171 : f32 to vector<16xf32>
          %parallel_loop3A_173 = arith.addf %parallel_loop3A_164, %parallel_loop3A_172 : vector<16xf32>
          %parallel_loop3A_174 = arith.fptosi %parallel_loop3A_173 : vector<16xf32> to vector<16xi32>
          %parallel_loop3A_175 = arith.constant 5.000000e-01 : f32
          %parallel_loop3A_176 = vector.broadcast %parallel_loop3A_175 : f32 to vector<16xf32>
          %parallel_loop3A_177 = arith.addf %parallel_loop3A_170, %parallel_loop3A_176 : vector<16xf32>
          %parallel_loop3A_178 = arith.fptosi %parallel_loop3A_177 : vector<16xf32> to vector<16xi32>
          %parallel_loop3A_179 = arith.constant 200 : i32
          %parallel_loop3A_180 = vector.broadcast %parallel_loop3A_179 : i32 to vector<16xi32>
          %parallel_loop3A_181 = arith.muli %parallel_loop3A_174, %parallel_loop3A_180 : vector<16xi32>
          %parallel_loop3A_182 = arith.addi %parallel_loop3A_181, %parallel_loop3A_178 : vector<16xi32>
          %parallel_loop3A_183 = arith.constant 16 : i32
          %parallel_loop3A_184 = arith.muli %parallel_loop3A_152, %parallel_loop3A_183 : i32
          %parallel_loop3A_185 = vector.broadcast %parallel_loop3A_184 : i32 to vector<16xi32>
          %parallel_loop3A_186 = arith.addi %iota3A, %parallel_loop3A_185 : vector<16xi32>
          %parallel_loop3A_187 = vector.broadcast %sub3A_132 : i32 to vector<16xi32>
          %parallel_loop3A_188 = arith.cmpi slt, %parallel_loop3A_186, %parallel_loop3A_187 : vector<16xi32>
          tpu.vector_store_idx %arg9[%parallel_loop3A_182], %broadcast_in_dim3A_48 masked %parallel_loop3A_188 {add = true} : memref<40000xf32, #tpu.memory_space<vmem>>[vector<16xi32>], vector<16xf32>, vector<16xi1>
        } {sc.loop_unroll_factor = 8 : i64, sc.parallel_access}
      } else {
      }
      %add3A_143 = arith.constant 2 : i32
      %add3A_144 = arith.addi %add3A_113, %add3A_143 : i32
      %lt3A_145 = arith.constant 8 : i32
      %lt3A_146 = arith.cmpi slt, %add3A_144, %lt3A_145 : i32
      %convert_element_type3A_147 = arith.extui %lt3A_146 : i1 to i32
      %cond3A_148 = arith.constant 0 : i32
      %cond3A_149 = arith.cmpi ne, %convert_element_type3A_147, %cond3A_148 : i32
      scf.if %cond3A_149 {
        %add3A_150 = arith.constant 2 : i32
        %add3A_151 = arith.addi %add3A_113, %add3A_150 : i32
        %mul3A_152 = arith.constant 8192 : i32
        %mul3A_153 = arith.muli %add3A_151, %mul3A_152 : i32
        %add3A_154 = arith.addi %mul3A_2, %mul3A_153 : i32
        %dma_start3A_155 = arith.constant 1 : i32
        %dma_start3A_156 = tpu.memref_slice %arg2[%add3A_154] : memref<2097152xf32, #tpu.memory_space<hbm>> -> memref<8192xf32, #tpu.memory_space<hbm>>
        %dma_start3A_157 = tpu.memref_slice %arg10[%dma_start3A_155] : memref<2x!tpu.dma_semaphore, #tpu.memory_space<semaphore_mem>> -> memref<1x!tpu.dma_semaphore, #tpu.memory_space<semaphore_mem>>
        %dma_start3A_158 = tpu.memref_squeeze %dma_start3A_157 : memref<1x!tpu.dma_semaphore, #tpu.memory_space<semaphore_mem>> -> memref<!tpu.dma_semaphore, #tpu.memory_space<semaphore_mem>>
        %dma_start3A_159 = tpu.memref_slice %arg2[%add3A_154] : memref<2097152xf32, #tpu.memory_space<hbm>> -> memref<8192xf32, #tpu.memory_space<hbm>>
        tpu.enqueue_dma source(%dma_start3A_159 : memref<8192xf32, #tpu.memory_space<hbm>>) target(%arg7 : memref<8192xf32, #tpu.memory_space<vmem>>) target_semaphore(%dma_start3A_158 : memref<!tpu.dma_semaphore, #tpu.memory_space<semaphore_mem>>)
        %dma_start3A_160 = arith.constant 1 : i32
        %dma_start3A_161 = tpu.memref_slice %arg3[%add3A_154] : memref<2097152xf32, #tpu.memory_space<hbm>> -> memref<8192xf32, #tpu.memory_space<hbm>>
        %dma_start3A_162 = tpu.memref_slice %arg10[%dma_start3A_160] : memref<2x!tpu.dma_semaphore, #tpu.memory_space<semaphore_mem>> -> memref<1x!tpu.dma_semaphore, #tpu.memory_space<semaphore_mem>>
        %dma_start3A_163 = tpu.memref_squeeze %dma_start3A_162 : memref<1x!tpu.dma_semaphore, #tpu.memory_space<semaphore_mem>> -> memref<!tpu.dma_semaphore, #tpu.memory_space<semaphore_mem>>
        %dma_start3A_164 = tpu.memref_slice %arg3[%add3A_154] : memref<2097152xf32, #tpu.memory_space<hbm>> -> memref<8192xf32, #tpu.memory_space<hbm>>
        tpu.enqueue_dma source(%dma_start3A_164 : memref<8192xf32, #tpu.memory_space<hbm>>) target(%arg8 : memref<8192xf32, #tpu.memory_space<vmem>>) target_semaphore(%dma_start3A_163 : memref<!tpu.dma_semaphore, #tpu.memory_space<semaphore_mem>>)
      } else {
      }
    }
    %scan3A_76 = arith.constant 4 : i32
    "tpu.region"() ({
      %run_scoped3A = tpu.sem_alloc : memref<!tpu.dma_semaphore, #tpu.memory_space<semaphore_mem>>
      %dma_start3A_77 = arith.constant 0 : i32
      %dma_start3A_78 = tpu.memref_slice %arg4[%add3A, %dma_start3A_77] : memref<32x40000xf32, #tpu.memory_space<hbm>> -> memref<1x40000xf32, #tpu.memory_space<hbm>>
      %dma_start3A_79 = tpu.memref_squeeze %dma_start3A_78 : memref<1x40000xf32, #tpu.memory_space<hbm>> -> memref<40000xf32, #tpu.memory_space<hbm>>
      %dma_start3A_80 = arith.constant 0 : i32
      %dma_start3A_81 = tpu.memref_slice %arg4[%add3A, %dma_start3A_80] : memref<32x40000xf32, #tpu.memory_space<hbm>> -> memref<1x40000xf32, #tpu.memory_space<hbm>>
      %dma_start3A_82 = tpu.memref_squeeze %dma_start3A_81 : memref<1x40000xf32, #tpu.memory_space<hbm>> -> memref<40000xf32, #tpu.memory_space<hbm>>
      tpu.enqueue_dma source(%arg9 : memref<40000xf32, #tpu.memory_space<vmem>>) target(%dma_start3A_82 : memref<40000xf32, #tpu.memory_space<hbm>>) target_semaphore(%run_scoped3A : memref<!tpu.dma_semaphore, #tpu.memory_space<semaphore_mem>>)
      %dma_wait3A = arith.constant 0 : i32
      %dma_wait3A_83 = tpu.memref_slice %arg4[%add3A, %dma_wait3A] : memref<32x40000xf32, #tpu.memory_space<hbm>> -> memref<1x40000xf32, #tpu.memory_space<hbm>>
      %dma_wait3A_84 = tpu.memref_squeeze %dma_wait3A_83 : memref<1x40000xf32, #tpu.memory_space<hbm>> -> memref<40000xf32, #tpu.memory_space<hbm>>
      %dma_wait3A_85 = arith.constant 0 : i32
      %dma_wait3A_86 = tpu.memref_slice %arg4[%add3A, %dma_wait3A_85] : memref<32x40000xf32, #tpu.memory_space<hbm>> -> memref<1x40000xf32, #tpu.memory_space<hbm>>
      %dma_wait3A_87 = tpu.memref_squeeze %dma_wait3A_86 : memref<1x40000xf32, #tpu.memory_space<hbm>> -> memref<40000xf32, #tpu.memory_space<hbm>>
      tpu.wait_dma2 semaphore(%run_scoped3A : memref<!tpu.dma_semaphore, #tpu.memory_space<semaphore_mem>>) src(%arg9 : memref<40000xf32, #tpu.memory_space<vmem>>) dst(%dma_wait3A_87 : memref<40000xf32, #tpu.memory_space<hbm>>)
      tpu.yield
    }) : () -> ()
    return
  }
}

module attributes {stable_mosaic.version = 14 : i64} {
  func.func @_finalize_body(%arg0: memref<32x40000xf32, #tpu.memory_space<vmem>>, %arg1: memref<40000xf32, #tpu.memory_space<vmem>>, %arg2: memref<40000xf32, #tpu.memory_space<vmem>>) attributes {dimension_semantics = [], scalar_prefetch = 0 : i64, scratch_operands = 0 : i64, tpu.core_type = #tpu.core_type<tc>} {
    %get3A = arith.constant 0 : index
    %get3A_0 = arith.constant 0 : index
    %get3A_1 = vector.load %arg0[%get3A, %get3A_0] : memref<32x40000xf32, #tpu.memory_space<vmem>>, vector<32x40000xf32>
    %reduce_sum3A = arith.constant dense<0.000000e+00> : vector<40000xf32>
    %reduce_sum3A_2 = vector.multi_reduction <add>, %get3A_1, %reduce_sum3A [0] : vector<32x40000xf32> to vector<40000xf32>
    %div3A = arith.constant 2.000000e+06 : f32
    %div3A_3 = vector.broadcast %div3A : f32 to vector<40000xf32>
    %div3A_4 = arith.divf %reduce_sum3A_2, %div3A_3 : vector<40000xf32>
    %get3A_5 = arith.constant 0 : index
    %get3A_6 = vector.load %arg1[%get3A_5] : memref<40000xf32, #tpu.memory_space<vmem>>, vector<40000xf32>
    %ne3A = arith.constant 0.000000e+00 : f32
    %ne3A_7 = vector.broadcast %ne3A : f32 to vector<40000xf32>
    %ne3A_8 = arith.cmpf one, %get3A_6, %ne3A_7 : vector<40000xf32>
    %jit3A = arith.constant 0.000000e+00 : f32
    %broadcast_in_dim3A = vector.broadcast %jit3A : f32 to vector<40000xf32>
    %select_n3A = arith.select %ne3A_8, %broadcast_in_dim3A, %div3A_4 : vector<40000xi1>, vector<40000xf32>
    %swap3A = arith.constant 0 : index
    %swap3A_9 = vector.load %arg2[%swap3A] : memref<40000xf32, #tpu.memory_space<vmem>>, vector<40000xf32>
    tpu.vector_store %arg2[%swap3A], %select_n3A {strides = array<i32>} : memref<40000xf32, #tpu.memory_space<vmem>>, vector<40000xf32>,
    return
  }
}

</mosaic_0001>

<sc_bundles>
// kernel: kernel.4.cloned.1.call-start
scs
__scs_entry_jumppad:
0x0: {  	(pc) =	sbr.rel $0x88, $3  }
0x1: {  	(tag) =	ssettag $0x0;
	lr =	simm.s32 $0x1  }
0x2: {  	[smem:$0x3F9F] =	sst lr;
	_ =	strace $0xD0000000  }
0x3: {  	_ = 	snop  }
0x4: {  	_ = 	snop  }
0x5: {  	_ = 	snop  }
0x6: {  	_ = 	snop  }
0x7: {  	_ = 	snop  }
__scs_overlays_trampoline_lowered:
0x8: {  	[smem:$0x3FAE] =	sst s0  }
0x9: {  	[smem:$0x3FAF] =	sst s1  }
0xa: {  	[smem:$0x3FB0] =	sst s2  }
0xb: {  	[smem:$0x3FB1] =	sst s3  }
0xc: {  	[smem:$0x3FB2] =	sst s4  }
0xd: {  	[smem:$0x3FB3] =	sst s5  }
0xe: {  	[smem:$0x3FB4] =	sst s6  }
0xf: {  	[smem:$0x3FB5] =	sst s7  }
0x10: {  	[smem:$0x3FB6] =	sst s8  }
0x11: {  	[smem:$0x3FB7] =	sst s9;
	s0 =	simm.s32 @!p0 $0x0  }
0x12: {  	s1 =	sld [smem:$0x3F9D];
	s0 =	simm.s32 @p0 $0x1  }
0x13: {  	[smem:$0x3FB8] =	sst s0;
	s0 =	simm.s32 @!p1 $0x0  }
0x14: {  	s2 =	sld [smem:$0x3F9C];
	s0 =	simm.s32 @p1 $0x1  }
0x15: {  	[smem:$0x3FB9] =	sst s0;
	s0 =	simm.s32 @!p2 $0x0  }
0x16: {  	s3 =	sld [smem:$0x3FDB];
	s0 =	simm.s32 @p2 $0x1  }
0x17: {  	s4 =	simm.s32 $0x1BF5;
	[smem:$0x3FBB] =	sst s0  }
0x18: {  	s0 =	sld [smem:$0x3F9E];
	_ =	swait.ge [sflag:s4], $0x0  }
0x19: {  	s7 =	sld [smem:$0x3F9F]  }
0x1a: {  	s8 =	sadd.s32 $0xFFFFE003, lr  }
0x1b: {  	s9 =	sadd.s32 $0xFFFFFEF7, lr;
	s5 =	simm.s32 $0xFFFFFFFF;
	p2 =	slt.u32 s8, $0xFFFFF086  }
0x1c: {  	p1 =	slt.u32 s9, $0xF7A;
	s5 =	simm.s32 @!p2 $0x0  }
0x1d: {  	s5 =	simm.s32 @p1 $0x1;
	p0 =	seq.s32 s7, s2  }
0x1e: {  	s7 =	smul.u32 @!p0 $0xF7A, s2;
	p2 =	seq.s32 @!p0 s5, $0x0  }
0x1f: {  	s9 =	smul.u32 $0xF7A, s1;
	s8 =	simm.s32 @!p0 $0x1BF5;
	p2 =	por !p2, p0  }
0x20: {  	[sflag:s8] =	ssyncset.s32 @!p0 $0xFFFFF086;
	s6 =	sadd.s32 @!p0 s3, s7;
	s7 =	simm.s32 @!p0 $0x108  }
0x21: {  	s3 =	sadd.s32 s3, s9;
	s6 =	sadd.s32 @!p0 $0x88, s6;
	s7 =	simm.s32 @p2 $0x1082  }
0x22: {  	[simem:s7], [sflag:s8] =	dma.local @!p0 [hbm:s6], $0xF7A  }
0x23: {  	s9 =	sor.u32 $0xD0000000, s2;
	s6 =	simm.s32 $0x108;
	_ =	swait.ge @!p0 [sflag:s8], $0x0  }
0x24: {  	s3 =	sadd.s32 $0x88, s3;
	s6 =	simm.s32 @!p1 $0x1082;
	[sflag:s4] =	ssyncset.s32 $0xFFFFF086  }
0x25: {  	[simem:s6], [sflag:s4] =	dma.local [hbm:s3], $0xF7A  }
0x26: {  	[smem:$0x3F9F] =	sst s1;
	(tag) =	ssettag s2;
	_ =	strace s9  }
0x27: {  	s1 =	sld [smem:$0x3FAF]  }
0x28: {  	s2 =	sld [smem:$0x3FB0]  }
0x29: {  	s4 =	sld [smem:$0x3FB2]  }
0x2a: {  	p0 =	seq.s32 s5, $0x0;
	s5 =	sld [smem:$0x3FB3]  }
0x2b: {  	s6 =	sld [smem:$0x3FB4]  }
0x2c: {  	s7 =	sld [smem:$0x3FB5]  }
0x2d: {  	s3 =	simm.s32 $0x108;
	s8 =	sld [smem:$0x3FB6]  }
0x2e: {  	s3 =	simm.s32 @!p0 $0x1082;
	s9 =	sld [smem:$0x3FB7]  }
0x2f: {  	lr =	sadd.s32 s0, s3;
	s0 =	sld [smem:$0x3FAE]  }
0x30: {  	s3 =	sld [smem:$0x3FB1]  }
0x31: {  	[smem:$0x3FBA] =	sst s10  }
0x32: {  	s10 =	sld [smem:$0x3FB8];
	_ =	sdelay $0x3  }
0x33: {  	p0 =	seq.s32 s10, $0x1;
	s10 =	sld [smem:$0x3FBA];
	_ =	sdelay $0x3  }
0x34: {  	[smem:$0x3FBA] =	sst s10  }
0x35: {  	s10 =	sld [smem:$0x3FB9];
	_ =	sdelay $0x3  }
0x36: {  	p1 =	seq.s32 s10, $0x1;
	s10 =	sld [smem:$0x3FBA];
	_ =	sdelay $0x3  }
0x37: {  	[smem:$0x3FBA] =	sst s10  }
0x38: {  	s10 =	sld [smem:$0x3FBB]  }
0x39: {  	_ = 	snop;
	(pc) =	sbr.ind lr, $3  }
0x3a: {  	_ = 	snop  }
0x3b: {  	_ = 	snop  }
0x3c: {  	p2 =	seq.s32 s10, $0x1;
	s10 =	sld [smem:$0x3FBA]  }
0x3d: {  	_ =	shalt  }
0x3e: {  	_ =	shalt  }
0x3f: {  	_ =	shalt  }
0x40: {  	_ =	shalt  }
0x41: {  	_ =	shalt  }
0x42: {  	_ =	shalt  }
0x43: {  	_ =	shalt  }
0x44: {  	_ =	shalt  }
0x45: {  	_ =	shalt  }
0x46: {  	_ =	shalt  }
0x47: {  	_ =	shalt  }
0x48: {  	_ =	shalt  }
0x49: {  	_ =	shalt  }
0x4a: {  	_ =	shalt  }
0x4b: {  	_ =	shalt  }
0x4c: {  	_ =	shalt  }
0x4d: {  	_ =	shalt  }
0x4e: {  	_ =	shalt  }
0x4f: {  	_ =	shalt  }
0x50: {  	_ =	shalt  }
0x51: {  	_ =	shalt  }
0x52: {  	_ =	shalt  }
0x53: {  	_ =	shalt  }
0x54: {  	_ =	shalt  }
0x55: {  	_ =	shalt  }
0x56: {  	_ =	shalt  }
0x57: {  	_ =	shalt  }
0x58: {  	_ =	shalt  }
0x59: {  	_ =	shalt  }
0x5a: {  	_ =	shalt  }
0x5b: {  	_ =	shalt  }
0x5c: {  	_ =	shalt  }
0x5d: {  	_ =	shalt  }
0x5e: {  	_ =	shalt  }
0x5f: {  	_ =	shalt  }
0x60: {  	_ =	shalt  }
0x61: {  	_ =	shalt  }
0x62: {  	_ =	shalt  }
0x63: {  	_ =	shalt  }
0x64: {  	_ =	shalt  }
0x65: {  	_ =	shalt  }
0x66: {  	_ =	shalt  }
0x67: {  	_ =	shalt  }
0x68: {  	_ =	shalt  }
0x69: {  	_ =	shalt  }
0x6a: {  	_ =	shalt  }
0x6b: {  	_ =	shalt  }
0x6c: {  	_ =	shalt  }
0x6d: {  	_ =	shalt  }
0x6e: {  	_ =	shalt  }
0x6f: {  	_ =	shalt  }
0x70: {  	_ =	shalt  }
0x71: {  	_ =	shalt  }
0x72: {  	_ =	shalt  }
0x73: {  	_ =	shalt  }
0x74: {  	_ =	shalt  }
0x75: {  	_ =	shalt  }
0x76: {  	_ =	shalt  }
0x77: {  	_ =	shalt  }
0x78: {  	_ =	shalt  }
0x79: {  	_ =	shalt  }
0x7a: {  	_ =	shalt  }
0x7b: {  	_ =	shalt  }
0x7c: {  	_ =	shalt  }
0x7d: {  	_ =	shalt  }
0x7e: {  	_ =	shalt  }
0x7f: {  	_ =	shalt  }
0x80: {  	_ =	shalt  }
0x81: {  	_ =	shalt  }
0x82: {  	_ =	shalt  }
0x83: {  	_ =	shalt  }
0x84: {  	_ =	shalt  }
0x85: {  	_ =	shalt  }
0x86: {  	_ =	shalt  }
0x87: {  	_ =	shalt  }
.Lfunc_end0:
.L_simem_size_0:
called_computation_lowered:
.L_overlay_start_0:
0x88: {  	s2 =	sld [smem:$0x3FD9]  }
0x89: {  	s3 =	sld [smem:$0x3FFE];
	_ =	sdelay $0x1  }
0x8a: {  	s1 =	srdreg.scid  }
0x8b: {  	s0 =	sand.u32 $0x1, s1  }
0x8c: {  	s16 =	sshll.u32 s0, $0xA;
	s2 =	sadd.s32 s3, s2  }
0x8d: {  	s2 =	sadd.s32 s2, s16  }
0x8e: {  	[smem:$0x3FC6] =	sst s2  }
0x8f: {  	_ = 	snop  }
0x90: {  	(tm) =	ssettm $0x1  }
0x91: {  	s17 =	sld [smem:$0x3FFB];
	_ =	sdelay $0x3  }
0x92: {  	_ =	strace s17  }
0x93: {  	s2 =	sld [smem:$0x3FFC];
	_ =	sdelay $0x3  }
0x94: {  	_ =	strace s2  }
0x95: {  	s2 =	sld [smem:$0x3FFD];
	_ =	sdelay $0x3  }
0x96: {  	_ =	strace s2  }
0x97: {  	_ =	strace $0x8FFFFFFF  }
0x98: {  	s18 =	sld [smem:$0x3FDB];
	_ =	sdelay $0x1  }
0x99: {  	s19 =	simm.s32 $_scs_section_size  }
0x9a: {  	s4 =	simm.s32 $_size__tile_overlayer_lowered;
	s5 =	simm.s32 $_tile_overlayer_lowered  }
0x9b: {  	s22 =	simm.s32 $0x1BFF;
	s21 =	sshll.u32 s5, $0x1;
	s2 =	sadd.s32 s19, s18  }
0x9c: {  	s6 =	simm.s32 $0x0;
	s20 =	sshll.u32 s4, $0x1;
	s4 =	sadd.s32 s21, s2  }
0x9d: {  	[timem:s6], [sflag:s22] =	dma.local [hbm:s4], s20  }
0x9e: {  	_ =	swait.ge [sflag:s22], s20  }
0x9f: {  	s3 =	ssub.s32 $0x0, s20;
	[sflag:s22] =	ssyncset.done $0x0  }
0xa0: {  	[sflag:s22] =	ssyncadd.s32 s3;
	_ =	sdelay $0x1  }
0xa1: {  	s23 =	simm.s32 $0x1B8B  }
0xa2: {  	_ =	swait.ge [sflag:s23], $0x1  }
0xa3: {  	[sflag:s23] =	ssyncset.done $0x0  }
0xa4: {  	s25 =	simm.s32 $0x1B8E;
	s24 =	sld [smem:$0x3FFE];
	[sflag:s23] =	ssyncadd.s32 $0xFFFFFFFF  }
0xa5: {  	s26 =	simm.s32 $execute0_lowered;
	[smem:$0x3FD2] =	sst s25  }
0xa6: {  	s4 =	sshll.u32 s26, $0x1;
	_ =	strace $0x80000046;
	[dreg:$0x1] =	wrdreg $0xFFFFFFFF  }
0xa7: {  	s28 =	simm.s32 $_size_execute0_lowered;
	s2 =	sadd.s32 s2, s4;
	[dreg:$0x0] =	wrdreg $0x0  }
0xa8: {  	s4 =	sshll.u32 s28, $0x1;
	[dreg:$0x2] =	wrdreg s2  }
0xa9: {  	[dreg:$0x3] =	wrdreg s4  }
0xaa: {  	[dreg:$0x4] =	wrdreg $0xC0  }
0xab: {  	_ =	task [dreg:s6], $0x5FFFF  }
0xac: {  	[dreg:$0x1] =	wrdreg $0xFFFFFFFF  }
0xad: {  	[dreg:$0x0] =	wrdreg $0x60  }
0xae: {  	[dreg:$0x2] =	wrdreg s24  }
0xaf: {  	[dreg:$0x3] =	wrdreg $0x9  }
0xb0: {  	_ =	task.clear_ibuf [dreg:s6], $0x4FFFF;
	_ =	strace $0x90000046  }
0xb1: {  	s29 =	simm.s32 $0x9;
	_ =	strace $0x80000048  }
0xb2: {  	_ =	swait.ge [sflag:s29], $0x1  }
0xb3: {  	[sflag:s29] =	ssyncadd.s32 $0xFFFFFFFF  }
0xb4: {  	_ =	strace $0x90000048  }
0xb5: {  	_ =	sfence  }
0xb6: {  	s30 =	sld [smem:$0x0];
	_ =	sdelay $0x2  }
0xb7: {  	s31 =	sshll.u32 s1, $0xD;
	s1 =	sshrl.u32 s1, $0x2  }
0xb8: {  	s3 =	sand.u32 $0x4000, s31;
	s1 =	sadd.s32 s1, s30  }
0xb9: {  	s0 =	sor.u32 s3, s0;
	s1 =	sshll.u32 s1, $0x11  }
0xba: {  	s0 =	sor.u32 s1, s0  }
0xbb: {  	s0 =	sadd.s32 $0x8F2B, s0  }
0xbc: {  	[sflag:s0] =	ssyncadd.remote.s32 $0x1  }
0xbd: {  	_ =	sfence.sel $0xFFFF  }
0xbe: {  	[dreg:$0x0] =	wrdreg $0xFFFFFFFF;
	(pc) =	sbr.abs _section_cstart, $3  }
0xbf: {  	[dreg:$0x1] =	wrdreg $0xFFFFFFFF  }
0xc0: {  	_ =	task.clear_ibuf [dreg:s6], $0x2FFFF;
	_ =	strace $0x9FFFFFFF  }
0xc1: {  	(tm) =	ssettm $0x7FFFFFFF  }
tec
execute0_lowered:
.L_overlay_start_1:
0x0: {  	(tag) =	ssettag $0x1  }
0x1: {  	s0 =	srdreg.scid  }
0x2: {  	s6 =	stileid.u32;
	s5 =	rddreg [dreg:$0x0]  }
0x3: {  	s2 =	simm.s32 $0x0;
	s15 =	simm.s32 $0x4000;
	s16 =	simm.s32 $0x6000  }
0x4: {  	s17 =	simm.s32 $0x1;
	s18 =	simm.s32 $0x8000;
	s19 =	simm.s32 $0x2  }
0x5: {  	s22 =	simm.s32 $0x3;
	s23 =	simm.s32 $0x0;
	s0 =	sand.u32 $0x1, s0  }
0x6: {  	s29 =	sshll.u32 s6, $0x7;
	[smem:$0x7FF] =	sst s2;
	s1 =	sshll.u32 s0, $0x4  }
0x7: {  	_ =	strace $0x80000047;
	s0 =	ssub.s32 $0x2, s0;
	s1 =	sor.u32 s6, s1  }
0x8: {  	s6 =	sand.u32 $0x380, s29;
	s30 =	sshrl.u32 s0, $0x1;
	s3 =	sshrl.u32 s1, $0x3  }
0x9: {  	s7 =	sshll.u32 s1, $0xD;
	s0 =	ssub.s32 s0, s30;
	s4 =	smul.u32 $0x4E400, s3  }
0xa: {  	s3 =	sadd.s32 $0x40600, s5;
	s31 =	sor.u32 $0x400, s7;
	s13 =	smax.u32 s0, $0x1  }
.Ltmp0:
0xb: {  	s8 =	sadd.s32 s3, s7;
	s6 =	sor.u32 s6, s4;
	(pc) =	sbr.rel .LBB2_1-.Ltmp0, $4  }
0xc: {  	s4 =	sadd.s32 $0x600, s5;
	[dreg:$0x2] =	wrdreg s8;
	s8 =	sadd.s32 s3, s31  }
0xd: {  	s6 =	sshrl.u32 s6, $0x3;
	s7 =	sadd.s32 s4, s7;
	s9 =	sadd.s32 s4, s31  }
0xe: {  	v2 =	vlaneseq.u32;
	s6 =	sadd.s32 s6, s5;
	s5 =	sshll.u32 s1, $0x10;
	[dreg:$0x3] =	wrdreg s7  }
0xf: {  	v0 =	vimm.f32 $0.0e+00;
	v1 =	vimm.f32 $1.000000000e+00;
	v2 =	vmul.u32 $0xFFFFFFFF, v2;
	s10 =	sor.u32 $0x4000, s5;
	s11 =	sor.u32 $0x6000, s5;
	s12 =	sadd.s32 $0x80600, s6  }
.LBB2_20:
0x10: {  	s23 =	sadd.s32 $0x1, s23  }
0x11: {  	p0 =	sne.s32 s23, s13  }
.Ltmp1:
0x12: {  	s0 =	simm.s32 $0x80;
	s1 =	simm.s32 $0x400;
	(pc) =	sbr.rel @!p0 .LBB2_21-.Ltmp1, $4  }
0x13: {  	[hbm4b:s12+s0] =	stream.strided.scatter [tilespmem:s18], [sflag:$0x3], $0x9C80, s1, s0, $0x38;
	[tilespmem:$0x11C80] =	vst v63  }
0x14: {  	_ =	swait.ge [sflag:s22], $0x9C80  }
0x15: {  	[sflag:s22] =	ssyncset.done $0x0  }
0x16: {  	[sflag:s22] =	ssyncadd.s32 $0xFFFF6380  }
.LBB2_1:
0x17: {  	s0 =	simm.s32 $0x8040  }
0x18: {  	[tilespmem:s0+$0xFFFFFFC0] =	vst v0  }
0x19: {  	[tilespmem:s0+$0x30] =	vst v0  }
0x1a: {  	[tilespmem:s0+$0x20] =	vst v0  }
0x1b: {  	[tilespmem:s0+$0x10] =	vst v0  }
0x1c: {  	[tilespmem:s0+$0x0] =	vst v0  }
0x1d: {  	[tilespmem:s0+$0xFFFFFFF0] =	vst v0  }
0x1e: {  	s1 =	simm.s32 $0x0;
	[tilespmem:s0+$0xFFFFFFE0] =	vst v0  }
.LBB2_2:
0x1f: {  	s1 =	sadd.s32 $0x8, s1;
	[tilespmem:s0+$0xFFFFFFD0] =	vst v0;
	s0 =	sadd.s32 $0x80, s0  }
0x20: {  	[tilespmem:s0+$0xFFFFFFC0] =	vst v0;
	p0 =	slt.u32 s1, $0x9B8  }
0x21: {  	[tilespmem:s0+$0x30] =	vst v0  }
.Ltmp2:
0x22: {  	[tilespmem:s0+$0x20] =	vst v0;
	(pc) =	sbr.rel @p0 .LBB2_2-.Ltmp2, $4  }
0x23: {  	[tilespmem:s0+$0x10] =	vst v0  }
0x24: {  	[tilespmem:s0+$0x0] =	vst v0  }
0x25: {  	[tilespmem:s0+$0xFFFFFFF0] =	vst v0  }
0x26: {  	[tilespmem:s0+$0xFFFFFFE0] =	vst v0  }
0x27: {  	[tilespmem:s0+$0xFFFFFFD0] =	vst v0  }
0x28: {  	[tilespmem:$0x11C00] =	vst v0  }
0x29: {  	[tilespmem:$0x11C10] =	vst v0  }
0x2a: {  	[tilespmem:$0x11C20] =	vst v0  }
0x2b: {  	s24 =	simm.s32 $0x0;
	s30 =	rddreg [dreg:$0x2];
	[tilespmem:$0x11C30] =	vst v0  }
0x2c: {  	[tilespmem:s24], [sflag:$0x1] =	stream.linear.gather [hbm4b:s30+s24], $0x2000, $0x38;
	[tilespmem:$0x11C80] =	vst v63  }
0x2d: {  	s31 =	rddreg [dreg:$0x3];
	s1 =	simm.s32 $0x2000  }
0x2e: {  	[tilespmem:s1], [sflag:$0x1] =	stream.linear.gather [hbm4b:s31+s24], $0x2000, $0x38;
	[tilespmem:$0x11C80] =	vst v63  }
0x2f: {  	_ = 	snop  }
0x30: {  	[tilespmem:s15], [sflag:$0x2] =	stream.linear.gather [hbm4b:s8+s24], $0x2000, $0x38;
	[tilespmem:$0x11C80] =	vst v63  }
0x31: {  	_ = 	snop  }
0x32: {  	[tilespmem:s16], [sflag:$0x2] =	stream.linear.gather [hbm4b:s9+s24], $0x2000, $0x38;
	[tilespmem:$0x11C80] =	vst v63  }
.LBB2_4:
0x33: {  	s25 =	sshll.u32 s24, $0xE  }
0x34: {  	s26 =	sor.u32 s5, s25  }
0x35: {  	_ =	swait.ge [sflag:s17], $0x2000;
	p0 =	sgt.u32 s26, $0x1EC628  }
.Ltmp3:
0x36: {  	[sflag:s17] =	ssyncset.done $0x0;
	(pc) =	sbr.rel @p0 .LBB2_8-.Ltmp3, $4  }
0x37: {  	[sflag:s17] =	ssyncadd.s32 $0xFFFFE000  }
0x38: {  	_ =	swait.ge [sflag:s17], $0x2000  }
0x39: {  	[sflag:s17] =	ssyncset.done $0x0  }
0x3a: {  	s0 =	simm.s32 $0x40;
	[sflag:s17] =	ssyncadd.s32 $0xFFFFE000  }
0x3b: {  	v3 =	vld [tilespmem:s0+$0x30]  }
0x3c: {  	v4 =	vld [tilespmem:s0+$0xFFFFFFD0]  }
0x3d: {  	v6 =	vld [tilespmem:s0+$0xFFFFFFE0]  }
0x3e: {  	v7 =	vld [tilespmem:s0+$0xFFFFFFF0]  }
0x3f: {  	v8 =	vld [tilespmem:s0+$0x0]  }
0x40: {  	v9 =	vld [tilespmem:s0+$0x10]  }
0x41: {  	v10 =	vld [tilespmem:s0+$0x20]  }
0x42: {  	s1 =	simm.s32 $0x2040;
	v11 =	vld [tilespmem:s0+$0xFFFFFFC0]  }
0x43: {  	v5 =	vld [tilespmem:s1+$0x30]  }
0x44: {  	v13 =	vld [tilespmem:s1+$0xFFFFFFD0]  }
0x45: {  	v14 =	vld [tilespmem:s1+$0xFFFFFFE0]  }
0x46: {  	v15 =	vld [tilespmem:s1+$0xFFFFFFF0]  }
0x47: {  	v16 =	vld [tilespmem:s1+$0x0]  }
0x48: {  	s28 =	simm.s32 $0x20C0;
	v17 =	vld [tilespmem:s1+$0x10];
	v3 =	vmax.f32 v3, $0.0e+00;
	v4 =	vmax.f32 v4, $0.0e+00  }
0x49: {  	v22 =	vld [tilespmem:s28+$0xFFFFFFD0];
	v6 =	vmax.f32 v6, $0.0e+00;
	v7 =	vmax.f32 v7, $0.0e+00;
	v8 =	vmax.f32 v8, $0.0e+00  }
0x4a: {  	v23 =	vld [tilespmem:s28+$0xFFFFFFE0];
	v9 =	vmax.f32 v9, $0.0e+00;
	v10 =	vmax.f32 v10, $0.0e+00;
	v11 =	vmax.f32 v11, $0.0e+00  }
0x4b: {  	v24 =	vld [tilespmem:s28+$0xFFFFFFF0];
	v3 =	vmin.f32 v3, $1.990000000e+02;
	v4 =	vmin.f32 v4, $1.990000000e+02;
	v5 =	vmax.f32 v5, $0.0e+00  }
0x4c: {  	v25 =	vld [tilespmem:s28+$0x0];
	v6 =	vmin.f32 v6, $1.990000000e+02;
	v7 =	vmin.f32 v7, $1.990000000e+02;
	v8 =	vmin.f32 v8, $1.990000000e+02  }
0x4d: {  	v26 =	vld [tilespmem:s28+$0x10];
	v9 =	vmin.f32 v9, $1.990000000e+02;
	v11 =	vmin.f32 v11, $1.990000000e+02;
	v10 =	vmin.f32 v10, $1.990000000e+02  }
0x4e: {  	v13 =	vmax.f32 v13, $0.0e+00;
	v14 =	vmax.f32 v14, $0.0e+00;
	v15 =	vmax.f32 v15, $0.0e+00  }
0x4f: {  	v16 =	vmax.f32 v16, $0.0e+00;
	v17 =	vmax.f32 v17, $0.0e+00;
	v22 =	vmax.f32 v22, $0.0e+00  }
0x50: {  	v23 =	vmax.f32 v23, $0.0e+00;
	v24 =	vmax.f32 v24, $0.0e+00;
	v3 =	vadd.f32 $5.000000000e-01, v3  }
0x51: {  	v25 =	vmax.f32 v25, $0.0e+00;
	v4 =	vadd.f32 $5.000000000e-01, v4;
	v11 =	vadd.f32 $5.000000000e-01, v11  }
0x52: {  	v26 =	vmax.f32 v26, $0.0e+00;
	v6 =	vadd.f32 $5.000000000e-01, v6;
	v7 =	vadd.f32 $5.000000000e-01, v7  }
0x53: {  	v5 =	vmin.f32 v5, $1.990000000e+02;
	v8 =	vadd.f32 $5.000000000e-01, v8;
	v9 =	vadd.f32 $5.000000000e-01, v9  }
0x54: {  	v10 =	vadd.f32 $5.000000000e-01, v10;
	v13 =	vmin.f32 v13, $1.990000000e+02;
	v14 =	vmin.f32 v14, $1.990000000e+02  }
0x55: {  	v15 =	vmin.f32 v15, $1.990000000e+02;
	v16 =	vmin.f32 v16, $1.990000000e+02;
	v17 =	vmin.f32 v17, $1.990000000e+02  }
0x56: {  	v22 =	vmin.f32 v22, $1.990000000e+02;
	v3 =	vtrunc.f32 v3;
	v11 =	vtrunc.f32 v11  }
0x57: {  	v23 =	vmin.f32 v23, $1.990000000e+02;
	v4 =	vtrunc.f32 v4;
	v6 =	vtrunc.f32 v6  }
0x58: {  	v5 =	vadd.f32 $5.000000000e-01, v5;
	v7 =	vtrunc.f32 v7;
	v8 =	vtrunc.f32 v8  }
0x59: {  	v24 =	vmin.f32 v24, $1.990000000e+02;
	v9 =	vtrunc.f32 v9;
	v10 =	vtrunc.f32 v10  }
0x5a: {  	v13 =	vadd.f32 $5.000000000e-01, v13;
	v3 =	vcvt.f32.s32 v3;
	v5 =	vtrunc.f32 v5  }
0x5b: {  	v14 =	vadd.f32 $5.000000000e-01, v14;
	v11 =	vcvt.f32.s32 v11;
	v4 =	vcvt.f32.s32 v4  }
0x5c: {  	v15 =	vadd.f32 $5.000000000e-01, v15;
	v6 =	vcvt.f32.s32 v6;
	v7 =	vcvt.f32.s32 v7  }
0x5d: {  	v16 =	vadd.f32 $5.000000000e-01, v16;
	v8 =	vcvt.f32.s32 v8;
	v9 =	vcvt.f32.s32 v9  }
0x5e: {  	v17 =	vadd.f32 $5.000000000e-01, v17;
	v10 =	vcvt.f32.s32 v10;
	v13 =	vtrunc.f32 v13  }
0x5f: {  	v25 =	vmin.f32 v25, $1.990000000e+02;
	v14 =	vtrunc.f32 v14;
	v15 =	vtrunc.f32 v15  }
0x60: {  	v26 =	vmin.f32 v26, $1.990000000e+02;
	v16 =	vtrunc.f32 v16;
	v17 =	vtrunc.f32 v17  }
0x61: {  	s31 =	simm.s32 $0xC0;
	v12 =	vld [tilespmem:s1+$0xFFFFFFC0];
	v22 =	vadd.f32 $5.000000000e-01, v22;
	v5 =	vcvt.f32.s32 v5;
	v13 =	vcvt.f32.s32 v13  }
0x62: {  	v18 =	vld [tilespmem:s31+$0x30];
	v23 =	vadd.f32 $5.000000000e-01, v23;
	v14 =	vcvt.f32.s32 v14;
	v15 =	vcvt.f32.s32 v15  }
0x63: {  	v19 =	vld [tilespmem:s31+$0xFFFFFFD0];
	v63 =	vadd.f32 $5.000000000e-01, v25;
	v16 =	vcvt.f32.s32 v16;
	v17 =	vcvt.f32.s32 v17  }
0x64: {  	v21 =	vld [tilespmem:s31+$0xFFFFFFE0];
	v3 =	vmul.u32 $0xC8, v3;
	v11 =	vmul.u32 $0xC8, v11;
	v4 =	vmul.u32 $0xC8, v4  }
0x65: {  	v6 =	vmul.u32 $0xC8, v6;
	v7 =	vmul.u32 $0xC8, v7;
	v8 =	vmul.u32 $0xC8, v8  }
0x66: {  	v9 =	vmul.u32 $0xC8, v9;
	v5 =	vadd.s32 v5, v3;
	v3 =	vmax.f32 v12, $0.0e+00  }
0x67: {  	v62 =	vld [tilespmem:s28+$0x20];
	v13 =	vadd.s32 v13, v4;
	v6 =	vadd.s32 v14, v6;
	v14 =	vmax.f32 v18, $0.0e+00  }
0x68: {  	v12 =	vld [tilespmem:s1+$0x20];
	v15 =	vadd.s32 v15, v7;
	v16 =	vadd.s32 v16, v8;
	v7 =	vmax.f32 v19, $0.0e+00  }
0x69: {  	v8 =	vld [tilespmem:s31+$0x10];
	v18 =	vadd.s32 v17, v9;
	v19 =	vmax.f32 v21, $0.0e+00;
	v3 =	vmin.f32 v3, $1.990000000e+02  }
0x6a: {  	v9 =	vld [tilespmem:s31+$0x20];
	v14 =	vmin.f32 v14, $1.990000000e+02;
	v7 =	vmin.f32 v7, $1.990000000e+02;
	v3 =	vadd.f32 $5.000000000e-01, v3  }
0x6b: {  	v17 =	vld [tilespmem:s31+$0xFFFFFFC0];
	v19 =	vmin.f32 v19, $1.990000000e+02;
	v14 =	vadd.f32 $5.000000000e-01, v14;
	v7 =	vadd.f32 $5.000000000e-01, v7  }
0x6c: {  	v21 =	vmax.f32 v62, $0.0e+00;
	v19 =	vadd.f32 $5.000000000e-01, v19;
	v3 =	vtrunc.f32 v3  }
0x6d: {  	v21 =	vmin.f32 v21, $1.990000000e+02;
	v14 =	vtrunc.f32 v14;
	v7 =	vtrunc.f32 v7  }
0x6e: {  	v19 =	vtrunc.f32 v19;
	v12 =	vmax.f32 v12, $0.0e+00;
	v20 =	vcvt.f32.s32 v3  }
0x6f: {  	v3 =	vmul.u32 $0xC8, v10;
	v10 =	vld [tilespmem:s28+$0x30];
	v14 =	vcvt.f32.s32 v14;
	v8 =	vmax.f32 v8, $0.0e+00  }
0x70: {  	v9 =	vmax.f32 v9, $0.0e+00;
	v17 =	vmax.f32 v17, $0.0e+00;
	[tilespmem:v13+s18+$0x0] =	vst.idx.add.f32.msk $0xffff, v1;
	v13 =	vcvt.f32.s32 v7  }
0x71: {  	v7 =	vadd.f32 $5.000000000e-01, v21;
	[tilespmem:v16+s18+$0x0] =	vst.idx.add.f32.msk $0xffff, v1;
	v16 =	vtrunc.f32 v23;
	v12 =	vmin.f32 v12, $1.990000000e+02  }
0x72: {  	[tilespmem:v15+s18+$0x0] =	vst.idx.add.f32.msk $0xffff, v1;
	v15 =	vtrunc.f32 v63;
	v8 =	vmin.f32 v8, $1.990000000e+02;
	v12 =	vadd.f32 $5.000000000e-01, v12  }
0x73: {  	v17 =	vmin.f32 v17, $1.990000000e+02;
	v9 =	vmin.f32 v9, $1.990000000e+02;
	v11 =	vadd.s32 v20, v11  }
0x74: {  	v20 =	vld [tilespmem:s31+$0xFFFFFFF0];
	v17 =	vadd.f32 $5.000000000e-01, v17;
	v8 =	vadd.f32 $5.000000000e-01, v8;
	v12 =	vtrunc.f32 v12  }
0x75: {  	v9 =	vadd.f32 $5.000000000e-01, v9;
	v4 =	vcvt.f32.s32 v12;
	v12 =	vld [tilespmem:s31+$0x0];
	v10 =	vmax.f32 v10, $0.0e+00  }
0x76: {  	v61 =	vld [tilespmem:s28+$0xFFFFFFC0];
	v14 =	vmul.u32 $0xC8, v14;
	v17 =	vtrunc.f32 v17;
	v10 =	vmin.f32 v10, $1.990000000e+02  }
0x77: {  	[tilespmem:v5+s18+$0x0] =	vst.idx.add.f32.msk $0xffff, v1;
	v8 =	vtrunc.f32 v8;
	v27 =	vtrunc.f32 v9;
	v10 =	vadd.f32 $5.000000000e-01, v10  }
0x78: {  	[tilespmem:v6+s18+$0x0] =	vst.idx.add.f32.msk $0xffff, v1;
	v6 =	vmul.u32 $0xC8, v13;
	v5 =	vcvt.f32.s32 v17;
	v17 =	vcvt.f32.s32 v19  }
0x79: {  	v9 =	vadd.f32 $5.000000000e-01, v26;
	v13 =	vcvt.f32.s32 v8;
	v10 =	vtrunc.f32 v10  }
0x7a: {  	v20 =	vmax.f32 v20, $0.0e+00;
	v12 =	vmax.f32 v12, $0.0e+00;
	v10 =	vcvt.f32.s32 v10  }
0x7b: {  	[tilespmem:v11+s18+$0x0] =	vst.idx.add.f32.msk $0xffff, v1;
	v11 =	vadd.f32 $5.000000000e-01, v24;
	v20 =	vmin.f32 v20, $1.990000000e+02;
	v12 =	vmin.f32 v12, $1.990000000e+02  }
0x7c: {  	v20 =	vadd.f32 $5.000000000e-01, v20;
	v10 =	vadd.s32 v10, v14;
	v12 =	vadd.f32 $5.000000000e-01, v12  }
0x7d: {  	v8 =	vmul.u32 $0xC8, v17;
	v17 =	vtrunc.f32 v22;
	v14 =	vmax.f32 v61, $0.0e+00  }
0x7e: {  	v20 =	vtrunc.f32 v20;
	v14 =	vmin.f32 v14, $1.990000000e+02;
	v12 =	vtrunc.f32 v12  }
0x7f: {  	v19 =	vcvt.f32.s32 v20;
	v14 =	vadd.f32 $5.000000000e-01, v14;
	v20 =	vcvt.f32.s32 v12  }
0x80: {  	[tilespmem:v18+s18+$0x0] =	vst.idx.add.f32.msk $0xffff, v1;
	v5 =	vmul.u32 $0xC8, v5;
	v18 =	vtrunc.f32 v11;
	v12 =	vcvt.f32.s32 v27  }
0x81: {  	s29 =	simm.s32 $0x8;
	s30 =	simm.s32 $0x140;
	v14 =	vtrunc.f32 v14;
	[tilespmem:v10+s18+$0x0] =	vst.idx.add.f32.msk $0xffff, v1;
	v10 =	vmul.u32 $0xC8, v19;
	v11 =	vmul.u32 $0xC8, v20  }
.LBB2_6:
0x82: {  	v19 =	vld [tilespmem:s30+$0x30];
	s29 =	sadd.s32 $0x8, s29;
	v9 =	vtrunc.f32 v9;
	v13 =	vmul.u32 $0xC8, v13;
	v7 =	vtrunc.f32 v7  }
0x83: {  	v14 =	vcvt.f32.s32 v14;
	v17 =	vcvt.f32.s32 v17;
	v12 =	vmul.u32 $0xC8, v12;
	s28 =	sadd.s32 $0x80, s28;
	v20 =	vld [tilespmem:s30+$0xFFFFFFD0];
	p0 =	slt.u32 s29, $0x1F8  }
0x84: {  	v16 =	vcvt.f32.s32 v16;
	v18 =	vcvt.f32.s32 v18;
	v22 =	vadd.s32 v4, v3;
	v21 =	vld [tilespmem:s28+$0x30]  }
0x85: {  	v9 =	vcvt.f32.s32 v9;
	v5 =	vadd.s32 v14, v5;
	v14 =	vcvt.f32.s32 v15;
	v3 =	vmovc v12;
	v23 =	vld [tilespmem:s30+$0xFFFFFFE0]  }
0x86: {  	v4 =	vcvt.f32.s32 v7;
	v6 =	vadd.s32 v17, v6;
	v8 =	vadd.s32 v16, v8;
	v12 =	vld [tilespmem:s30+$0xFFFFFFF0]  }
0x87: {  	v10 =	vadd.s32 v18, v10;
	v11 =	vadd.s32 v14, v11;
	v7 =	vld [tilespmem:s30+$0x0];
	v15 =	vmax.f32 v19, $0.0e+00  }
0x88: {  	v9 =	vadd.s32 v9, v13;
	v14 =	vmax.f32 v20, $0.0e+00;
	v16 =	vld [tilespmem:s30+$0x10];
	v15 =	vmin.f32 v15, $1.990000000e+02  }
0x89: {  	v13 =	vmin.f32 v14, $1.990000000e+02;
	v14 =	vld [tilespmem:s30+$0x20];
	v17 =	vmax.f32 v21, $0.0e+00;
	v15 =	vadd.f32 $5.000000000e-01, v15  }
0x8a: {  	v18 =	vld [tilespmem:s30+$0xFFFFFFC0];
	v13 =	vadd.f32 $5.000000000e-01, v13;
	v19 =	vmax.f32 v23, $0.0e+00;
	v17 =	vmin.f32 v17, $1.990000000e+02  }
0x8b: {  	v20 =	vld [tilespmem:s28+$0xFFFFFFC0];
	v12 =	vmax.f32 v12, $0.0e+00;
	v15 =	vtrunc.f32 v15;
	v17 =	vadd.f32 $5.000000000e-01, v17  }
0x8c: {  	v19 =	vmin.f32 v19, $1.990000000e+02;
	v21 =	vld [tilespmem:s28+$0xFFFFFFD0];
	v7 =	vmax.f32 v7, $0.0e+00;
	v15 =	vcvt.f32.s32 v15  }
0x8d: {  	v12 =	vmin.f32 v12, $1.990000000e+02;
	v23 =	vld [tilespmem:s28+$0xFFFFFFE0];
	v16 =	vmax.f32 v16, $0.0e+00;
	v17 =	vtrunc.f32 v17  }
0x8e: {  	v24 =	vld [tilespmem:s28+$0xFFFFFFF0];
	v14 =	vmax.f32 v14, $0.0e+00;
	v17 =	vcvt.f32.s32 v17;
	v15 =	vmul.u32 $0xC8, v15  }
0x8f: {  	v7 =	vmin.f32 v7, $1.990000000e+02;
	v16 =	vmin.f32 v16, $1.990000000e+02;
	v18 =	vmax.f32 v18, $0.0e+00;
	v25 =	vld [tilespmem:s28+$0x0]  }
0x90: {  	v14 =	vmin.f32 v14, $1.990000000e+02;
	v18 =	vmin.f32 v18, $1.990000000e+02;
	v26 =	vld [tilespmem:s28+$0x10];
	v15 =	vadd.s32 v17, v15  }
0x91: {  	v19 =	vadd.f32 $5.000000000e-01, v19;
	v17 =	vmax.f32 v20, $0.0e+00;
	v18 =	vadd.f32 $5.000000000e-01, v18;
	v20 =	vld [tilespmem:s28+$0x20]  }
0x92: {  	v12 =	vadd.f32 $5.000000000e-01, v12;
	v7 =	vadd.f32 $5.000000000e-01, v7;
	v21 =	vmax.f32 v21, $0.0e+00;
	[tilespmem:v5+s18+$0x0] =	vst.idx.add.f32.msk $0xffff, v1  }
0x93: {  	v16 =	vadd.f32 $5.000000000e-01, v16;
	v14 =	vadd.f32 $5.000000000e-01, v14;
	v5 =	vmax.f32 v23, $0.0e+00;
	[tilespmem:v6+s18+$0x0] =	vst.idx.add.f32.msk $0xffff, v1  }
0x94: {  	v6 =	vmin.f32 v17, $1.990000000e+02;
	v17 =	vmax.f32 v24, $0.0e+00;
	v23 =	vmax.f32 v25, $0.0e+00;
	[tilespmem:v8+s18+$0x0] =	vst.idx.add.f32.msk $0xffff, v1  }
0x95: {  	v5 =	vmin.f32 v5, $1.990000000e+02;
	v8 =	vmin.f32 v21, $1.990000000e+02;
	v21 =	vmax.f32 v26, $0.0e+00;
	[tilespmem:v15+s18+$0x0] =	vst.idx.add.f32.msk $0xffff, v1  }
0x96: {  	v15 =	vmin.f32 v17, $1.990000000e+02;
	v17 =	vmin.f32 v23, $1.990000000e+02;
	v20 =	vmax.f32 v20, $0.0e+00;
	[tilespmem:v10+s18+$0x0] =	vst.idx.add.f32.msk $0xffff, v1  }
0x97: {  	v10 =	vtrunc.f32 v18;
	v18 =	vmin.f32 v21, $1.990000000e+02;
	v20 =	vmin.f32 v20, $1.990000000e+02;
	[tilespmem:v11+s18+$0x0] =	vst.idx.add.f32.msk $0xffff, v1  }
0x98: {  	v11 =	vadd.f32 $5.000000000e-01, v6;
	v6 =	vtrunc.f32 v13;
	v13 =	vtrunc.f32 v19;
	[tilespmem:v9+s18+$0x0] =	vst.idx.add.f32.msk $0xffff, v1  }
0x99: {  	v19 =	vadd.f32 $5.000000000e-01, v8;
	v8 =	vtrunc.f32 v12;
	v12 =	vtrunc.f32 v7;
	[tilespmem:v22+s18+$0x0] =	vst.idx.add.f32.msk $0xffff, v1  }
0x9a: {  	v16 =	vtrunc.f32 v16;
	v21 =	vadd.f32 $5.000000000e-01, v5;
	v22 =	vtrunc.f32 v14  }
0x9b: {  	v15 =	vadd.f32 $5.000000000e-01, v15;
	v23 =	vadd.f32 $5.000000000e-01, v17;
	v5 =	vcvt.f32.s32 v10  }
0x9c: {  	v6 =	vcvt.f32.s32 v6;
	v9 =	vadd.f32 $5.000000000e-01, v18;
	v7 =	vadd.f32 $5.000000000e-01, v20  }
.Ltmp4:
0x9d: {  	v10 =	vcvt.f32.s32 v13;
	v18 =	vcvt.f32.s32 v8;
	v5 =	vmul.u32 $0xC8, v5;
	(pc) =	sbr.rel @p0 .LBB2_6-.Ltmp4, $4  }
0x9e: {  	v20 =	vcvt.f32.s32 v12;
	v13 =	vcvt.f32.s32 v16;
	v6 =	vmul.u32 $0xC8, v6  }
0x9f: {  	v14 =	vtrunc.f32 v11;
	v8 =	vmul.u32 $0xC8, v10;
	v12 =	vcvt.f32.s32 v22  }
0xa0: {  	v16 =	vtrunc.f32 v21;
	v17 =	vtrunc.f32 v19;
	v10 =	vmul.u32 $0xC8, v18  }
0xa1: {  	s30 =	sadd.s32 $0x80, s30;
	v18 =	vtrunc.f32 v15;
	v15 =	vtrunc.f32 v23;
	v11 =	vmul.u32 $0xC8, v20  }
0xa2: {  	v14 =	vcvt.f32.s32 v14  }
0xa3: {  	v17 =	vcvt.f32.s32 v17;
	v3 =	vadd.s32 v4, v3  }
0xa4: {  	v16 =	vcvt.f32.s32 v16;
	v5 =	vadd.s32 v14, v5  }
0xa5: {  	v62 =	vcvt.f32.s32 v18;
	v9 =	vtrunc.f32 v9;
	v6 =	vadd.s32 v17, v6  }
0xa6: {  	v15 =	vcvt.f32.s32 v15;
	v13 =	vmul.u32 $0xC8, v13;
	v8 =	vadd.s32 v16, v8  }
0xa7: {  	v7 =	vtrunc.f32 v7;
	v9 =	vcvt.f32.s32 v9;
	v10 =	vadd.s32 v62, v10  }
0xa8: {  	v12 =	vmul.u32 $0xC8, v12;
	v7 =	vcvt.f32.s32 v7;
	v11 =	vadd.s32 v15, v11;
	[tilespmem:v3+s18+$0x0] =	vst.idx.add.f32.msk $0xffff, v1  }
0xa9: {  	v9 =	vadd.s32 v9, v13;
	[tilespmem:v5+s18+$0x0] =	vst.idx.add.f32.msk $0xffff, v1  }
0xaa: {  	v63 =	vadd.s32 v7, v12;
	[tilespmem:v6+s18+$0x0] =	vst.idx.add.f32.msk $0xffff, v1  }
.Ltmp5:
0xab: {  	[tilespmem:v8+s18+$0x0] =	vst.idx.add.f32.msk $0xffff, v1;
	(pc) =	sbr.rel .LBB2_11-.Ltmp5, $4  }
0xac: {  	[tilespmem:v10+s18+$0x0] =	vst.idx.add.f32.msk $0xffff, v1  }
0xad: {  	[tilespmem:v11+s18+$0x0] =	vst.idx.add.f32.msk $0xffff, v1  }
0xae: {  	[tilespmem:v9+s18+$0x0] =	vst.idx.add.f32.msk $0xffff, v1  }
0xaf: {  	[tilespmem:v63+s18+$0x0] =	vst.idx.add.f32.msk $0xffff, v1  }
.LBB2_8:
0xb0: {  	v3 =	vld [tilespmem:s0+$0x30]  }
0xb1: {  	v4 =	vld [tilespmem:s0+$0xFFFFFFC0]  }
0xb2: {  	v6 =	vld [tilespmem:s0+$0xFFFFFFD0]  }
0xb3: {  	v7 =	vld [tilespmem:s0+$0xFFFFFFE0]  }
0xb4: {  	v8 =	vld [tilespmem:s0+$0xFFFFFFF0]  }
0xb5: {  	s28 =	simm.s32 $0x2040;
	v10 =	vld [tilespmem:s0+$0x0]  }
0xb6: {  	s29 =	simm.s32 $0x70;
	v5 =	vld [tilespmem:s28+$0x30]  }
0xb7: {  	s1 =	ssub.s32 $0x1EE628, s26;
	v17 =	vmov s29  }
0xb8: {  	v9 =	vmax.f32 v3, $0.0e+00;
	v3 =	vadd.s32 s1, v2;
	v4 =	vmax.f32 v4, $0.0e+00  }
0xb9: {  	v6 =	vmax.f32 v6, $0.0e+00;
	v7 =	vmax.f32 v7, $0.0e+00;
	v8 =	vmax.f32 v8, $0.0e+00  }
0xba: {  	v10 =	vmax.f32 v10, $0.0e+00;
	v9 =	vmin.f32 v9, $1.990000000e+02;
	v4 =	vmin.f32 v4, $1.990000000e+02  }
0xbb: {  	v11 =	vld [tilespmem:s0+$0x10];
	v5 =	vmax.f32 v5, $0.0e+00;
	v7 =	vmin.f32 v7, $1.990000000e+02;
	vm0 =	vlt.s32 v17, v3  }
0xbc: {  	v12 =	vld [tilespmem:s0+$0x20];
	v8 =	vmin.f32 v8, $1.990000000e+02;
	v10 =	vmin.f32 v10, $1.990000000e+02;
	v9 =	vadd.f32 $5.000000000e-01, v9  }
0xbd: {  	v4 =	vadd.f32 $5.000000000e-01, v4;
	v5 =	vmin.f32 v5, $1.990000000e+02;
	v7 =	vadd.f32 $5.000000000e-01, v7  }
0xbe: {  	v17 =	vld [tilespmem:s28+$0x10];
	v8 =	vadd.f32 $5.000000000e-01, v8;
	v10 =	vadd.f32 $5.000000000e-01, v10;
	v9 =	vtrunc.f32 v9  }
0xbf: {  	v13 =	vld [tilespmem:s28+$0xFFFFFFC0];
	v5 =	vadd.f32 $5.000000000e-01, v5;
	v4 =	vtrunc.f32 v4;
	v7 =	vtrunc.f32 v7  }
0xc0: {  	v14 =	vld [tilespmem:s28+$0xFFFFFFD0];
	v11 =	vmax.f32 v11, $0.0e+00;
	v8 =	vtrunc.f32 v8;
	v10 =	vtrunc.f32 v10  }
0xc1: {  	v15 =	vld [tilespmem:s28+$0xFFFFFFE0];
	v12 =	vmax.f32 v12, $0.0e+00;
	v9 =	vcvt.f32.s32 v9;
	v5 =	vtrunc.f32 v5  }
0xc2: {  	v16 =	vld [tilespmem:s28+$0xFFFFFFF0];
	v6 =	vmin.f32 v6, $1.990000000e+02;
	v4 =	vcvt.f32.s32 v4;
	v8 =	vcvt.f32.s32 v8  }
0xc3: {  	v18 =	vld [tilespmem:s28+$0x0];
	v5 =	vcvt.f32.s32 v5;
	v17 =	vmax.f32 v17, $0.0e+00;
	v9 =	vmul.u32 $0xC8, v9  }
0xc4: {  	v7 =	vcvt.f32.s32 v7;
	v17 =	vmin.f32 v17, $1.990000000e+02;
	v8 =	vmul.u32 $0xC8, v8  }
0xc5: {  	v17 =	vadd.f32 $5.000000000e-01, v17;
	v19 =	vadd.s32 v5, v9;
	v5 =	vadd.f32 $5.000000000e-01, v6  }
0xc6: {  	v6 =	vmin.f32 v11, $1.990000000e+02;
	v11 =	vmin.f32 v12, $1.990000000e+02;
	v12 =	vmax.f32 v13, $0.0e+00  }
0xc7: {  	v13 =	vmax.f32 v14, $0.0e+00;
	v14 =	vmax.f32 v15, $0.0e+00;
	v15 =	vmax.f32 v16, $0.0e+00  }
0xc8: {  	v16 =	vmax.f32 v18, $0.0e+00;
	v6 =	vadd.f32 $5.000000000e-01, v6;
	v11 =	vadd.f32 $5.000000000e-01, v11  }
0xc9: {  	v12 =	vmin.f32 v12, $1.990000000e+02;
	v13 =	vmin.f32 v13, $1.990000000e+02;
	v14 =	vmin.f32 v14, $1.990000000e+02  }
0xca: {  	v15 =	vmin.f32 v15, $1.990000000e+02;
	v16 =	vmin.f32 v16, $1.990000000e+02;
	v21 =	vtrunc.f32 v17  }
0xcb: {  	v9 =	vld [tilespmem:s28+$0x20];
	v5 =	vtrunc.f32 v5;
	v12 =	vadd.f32 $5.000000000e-01, v12;
	v13 =	vadd.f32 $5.000000000e-01, v13  }
0xcc: {  	v14 =	vadd.f32 $5.000000000e-01, v14;
	v6 =	vtrunc.f32 v6;
	v11 =	vtrunc.f32 v11  }
0xcd: {  	v15 =	vadd.f32 $5.000000000e-01, v15;
	v18 =	vcvt.f32.s32 v5;
	v11 =	vcvt.f32.s32 v11  }
0xce: {  	v16 =	vadd.f32 $5.000000000e-01, v16;
	v12 =	vtrunc.f32 v12;
	v13 =	vtrunc.f32 v13  }
0xcf: {  	v5 =	vmul.u32 $0xC8, v4;
	v14 =	vtrunc.f32 v14;
	v15 =	vtrunc.f32 v15  }
0xd0: {  	v16 =	vtrunc.f32 v16;
	v9 =	vmax.f32 v9, $0.0e+00;
	v13 =	vcvt.f32.s32 v13  }
0xd1: {  	s21 =	simm.s32 $0x20;
	v4 =	vmul.u32 $0xC8, v18;
	v18 =	vcvt.f32.s32 v14;
	v15 =	vcvt.f32.s32 v15  }
0xd2: {  	v14 =	vmov s21;
	v17 =	vcvt.f32.s32 v16;
	v9 =	vmin.f32 v9, $1.990000000e+02  }
0xd3: {  	s6 =	simm.s32 $0x30;
	s7 =	simm.s32 $0x40;
	v20 =	vadd.f32 $5.000000000e-01, v9;
	v9 =	vcvt.f32.s32 v10;
	v10 =	vcvt.f32.s32 v6  }
0xd4: {  	v16 =	vcvt.f32.s32 v21;
	[tilespmem:v19+s18+$0x0] =	vst.idx.add.f32.msk vm0, v1;
	v21 =	vmov s6;
	v19 =	vmov s7  }
0xd5: {  	v6 =	vmul.u32 $0xC8, v7;
	v7 =	vmul.u32 $0xC8, v9;
	v9 =	vmul.u32 $0xC8, v10  }
0xd6: {  	s14 =	simm.s32 $0x0;
	s20 =	simm.s32 $0x10;
	s30 =	simm.s32 $0x0;
	v22 =	vtrunc.f32 v20;
	v10 =	vmul.u32 $0xC8, v11;
	v20 =	vcvt.f32.s32 v12  }
0xd7: {  	s0 =	simm.s32 $0x50;
	s31 =	simm.s32 $0xC0;
	s1 =	simm.s32 $0x60;
	v11 =	vmov s14;
	v12 =	vmov s20;
	v22 =	vcvt.f32.s32 v22  }
.LBB2_9:
0xd8: {  	v23 =	vld [tilespmem:s31+$0x30];
	s30 =	sadd.s32 $0x8, s30;
	v5 =	vadd.s32 v20, v5;
	v20 =	vmov s0;
	v24 =	vmov s1  }
0xd9: {  	v4 =	vadd.s32 v13, v4;
	v6 =	vadd.s32 v18, v6;
	v8 =	vadd.s32 v15, v8;
	s28 =	sadd.s32 $0x80, s28;
	v25 =	vld [tilespmem:s31+$0xFFFFFFC0];
	p0 =	slt.u32 s30, $0x1F8  }
0xda: {  	v7 =	vadd.s32 v17, v7;
	v9 =	vadd.s32 v16, v9;
	v10 =	vadd.s32 v22, v10;
	v13 =	vld [tilespmem:s28+$0x30]  }
0xdb: {  	vm6 =	vlt.s32 v11, v3;
	vm5 =	vlt.s32 v12, v3;
	vm4 =	vlt.s32 v14, v3;
	v15 =	vld [tilespmem:s31+$0xFFFFFFD0]  }
0xdc: {  	vm3 =	vlt.s32 v21, v3;
	vm2 =	vlt.s32 v19, v3;
	vm1 =	vlt.s32 v20, v3;
	v11 =	vld [tilespmem:s31+$0xFFFFFFE0]  }
0xdd: {  	vm0 =	vlt.s32 v24, v3;
	v12 =	vld [tilespmem:s31+$0xFFFFFFF0];
	v14 =	vmax.f32 v23, $0.0e+00  }
0xde: {  	v16 =	vmax.f32 v25, $0.0e+00;
	v17 =	vld [tilespmem:s31+$0x0];
	v14 =	vmin.f32 v14, $1.990000000e+02  }
0xdf: {  	v16 =	vmin.f32 v16, $1.990000000e+02;
	v18 =	vld [tilespmem:s31+$0x10];
	v13 =	vmax.f32 v13, $0.0e+00;
	v14 =	vadd.f32 $5.000000000e-01, v14  }
0xe0: {  	v16 =	vadd.f32 $5.000000000e-01, v16;
	v15 =	vmax.f32 v15, $0.0e+00;
	v19 =	vld [tilespmem:s31+$0x20];
	v13 =	vmin.f32 v13, $1.990000000e+02  }
0xe1: {  	v20 =	vld [tilespmem:s28+$0xFFFFFFC0];
	v11 =	vmax.f32 v11, $0.0e+00;
	v14 =	vtrunc.f32 v14;
	v13 =	vadd.f32 $5.000000000e-01, v13  }
0xe2: {  	v15 =	vmin.f32 v15, $1.990000000e+02;
	v21 =	vld [tilespmem:s28+$0xFFFFFFD0];
	v12 =	vmax.f32 v12, $0.0e+00;
	v14 =	vcvt.f32.s32 v14  }
0xe3: {  	s29 =	sadd.s32 $0x80, s29;
	v11 =	vmin.f32 v11, $1.990000000e+02;
	v22 =	vld [tilespmem:s28+$0xFFFFFFE0];
	v17 =	vmax.f32 v17, $0.0e+00;
	v13 =	vtrunc.f32 v13  }
0xe4: {  	s6 =	sadd.s32 $0xFFFFFFA0, s29;
	s20 =	sadd.s32 $0xFFFFFFB0, s29;
	s14 =	sadd.s32 $0xFFFFFFC0, s29;
	v24 =	vmov s29;
	v23 =	vld [tilespmem:s28+$0xFFFFFFF0];
	v13 =	vcvt.f32.s32 v13;
	v14 =	vmul.u32 $0xC8, v14  }
0xe5: {  	s21 =	sadd.s32 $0xFFFFFFD0, s29;
	s0 =	sadd.s32 $0xFFFFFFE0, s29;
	s1 =	sadd.s32 $0xFFFFFFF0, s29;
	vm7 =	vlt.s32 v24, v3;
	v18 =	vmax.f32 v18, $0.0e+00;
	v25 =	vld [tilespmem:s28+$0x0];
	v19 =	vmax.f32 v19, $0.0e+00  }
0xe6: {  	s7 =	sadd.s32 $0xFFFFFF90, s29;
	v12 =	vmin.f32 v12, $1.990000000e+02;
	v17 =	vmin.f32 v17, $1.990000000e+02;
	v24 =	vld [tilespmem:s28+$0x10];
	v13 =	vadd.s32 v13, v14  }
0xe7: {  	v14 =	vadd.f32 $5.000000000e-01, v15;
	v15 =	vmin.f32 v18, $1.990000000e+02;
	v19 =	vmin.f32 v19, $1.990000000e+02;
	v18 =	vld [tilespmem:s28+$0x20]  }
0xe8: {  	v11 =	vadd.f32 $5.000000000e-01, v11;
	v12 =	vadd.f32 $5.000000000e-01, v12;
	v20 =	vmax.f32 v20, $0.0e+00;
	[tilespmem:v5+s18+$0x0] =	vst.idx.add.f32.msk vm6, v1  }
0xe9: {  	v17 =	vadd.f32 $5.000000000e-01, v17;
	v15 =	vadd.f32 $5.000000000e-01, v15;
	v5 =	vmax.f32 v21, $0.0e+00;
	[tilespmem:v4+s18+$0x0] =	vst.idx.add.f32.msk vm5, v1  }
0xea: {  	v19 =	vadd.f32 $5.000000000e-01, v19;
	v4 =	vmax.f32 v22, $0.0e+00;
	v21 =	vmax.f32 v23, $0.0e+00;
	[tilespmem:v6+s18+$0x0] =	vst.idx.add.f32.msk vm4, v1  }
0xeb: {  	v6 =	vmin.f32 v20, $1.990000000e+02;
	v20 =	vmax.f32 v25, $0.0e+00;
	v22 =	vmax.f32 v24, $0.0e+00;
	[tilespmem:v13+s18+$0x0] =	vst.idx.add.f32.msk vm7, v1  }
0xec: {  	v5 =	vmin.f32 v5, $1.990000000e+02;
	v4 =	vmin.f32 v4, $1.990000000e+02;
	v13 =	vmax.f32 v18, $0.0e+00;
	[tilespmem:v8+s18+$0x0] =	vst.idx.add.f32.msk vm3, v1  }
0xed: {  	v8 =	vmin.f32 v21, $1.990000000e+02;
	v18 =	vmin.f32 v20, $1.990000000e+02;
	v20 =	vmin.f32 v22, $1.990000000e+02;
	[tilespmem:v7+s18+$0x0] =	vst.idx.add.f32.msk vm2, v1  }
0xee: {  	v14 =	vtrunc.f32 v14;
	v7 =	vtrunc.f32 v16;
	v13 =	vmin.f32 v13, $1.990000000e+02;
	[tilespmem:v9+s18+$0x0] =	vst.idx.add.f32.msk vm1, v1  }
0xef: {  	v6 =	vadd.f32 $5.000000000e-01, v6;
	v9 =	vtrunc.f32 v11;
	v11 =	vtrunc.f32 v12;
	[tilespmem:v10+s18+$0x0] =	vst.idx.add.f32.msk vm0, v1  }
0xf0: {  	v15 =	vtrunc.f32 v15;
	v12 =	vtrunc.f32 v17;
	v10 =	vadd.f32 $5.000000000e-01, v5  }
0xf1: {  	v16 =	vadd.f32 $5.000000000e-01, v4;
	v8 =	vadd.f32 $5.000000000e-01, v8;
	v17 =	vtrunc.f32 v19  }
0xf2: {  	v4 =	vcvt.f32.s32 v7;
	v7 =	vadd.f32 $5.000000000e-01, v18;
	v18 =	vadd.f32 $5.000000000e-01, v20  }
0xf3: {  	v14 =	vcvt.f32.s32 v14;
	v13 =	vadd.f32 $5.000000000e-01, v13;
	v9 =	vcvt.f32.s32 v9  }
0xf4: {  	v11 =	vcvt.f32.s32 v11;
	v12 =	vcvt.f32.s32 v12;
	v5 =	vmul.u32 $0xC8, v4  }
0xf5: {  	v4 =	vmul.u32 $0xC8, v14;
	v14 =	vcvt.f32.s32 v15;
	v15 =	vcvt.f32.s32 v17  }
0xf6: {  	v17 =	vtrunc.f32 v6;
	v19 =	vtrunc.f32 v10;
	v6 =	vmul.u32 $0xC8, v9  }
0xf7: {  	v16 =	vtrunc.f32 v16;
	v21 =	vtrunc.f32 v8;
	v8 =	vmul.u32 $0xC8, v11  }
0xf8: {  	v22 =	vtrunc.f32 v7;
	v23 =	vtrunc.f32 v18;
	v7 =	vmul.u32 $0xC8, v12  }
.Ltmp6:
0xf9: {  	v24 =	vtrunc.f32 v13;
	v9 =	vmul.u32 $0xC8, v14;
	v10 =	vmul.u32 $0xC8, v15;
	(pc) =	sbr.rel @p0 .LBB2_9-.Ltmp6, $4  }
0xfa: {  	v20 =	vcvt.f32.s32 v17;
	v11 =	vmov s7;
	v13 =	vcvt.f32.s32 v19  }
0xfb: {  	v18 =	vcvt.f32.s32 v16;
	v12 =	vmov s6;
	v15 =	vcvt.f32.s32 v21  }
0xfc: {  	v17 =	vcvt.f32.s32 v22;
	v16 =	vcvt.f32.s32 v23;
	v14 =	vmov s20  }
0xfd: {  	s31 =	sadd.s32 $0x80, s31;
	v22 =	vcvt.f32.s32 v24;
	v21 =	vmov s14;
	v19 =	vmov s21  }
0xfe: {  	vm0 =	vlt.s32 v11, v3  }
0xff: {  	v5 =	vadd.s32 v20, v5;
	vm1 =	vlt.s32 v12, v3  }
0x100: {  	v4 =	vadd.s32 v13, v4;
	vm2 =	vlt.s32 v14, v3  }
0x101: {  	v6 =	vadd.s32 v18, v6;
	vm3 =	vlt.s32 v21, v3  }
0x102: {  	v62 =	vmov s0;
	v8 =	vadd.s32 v15, v8;
	vm4 =	vlt.s32 v19, v3  }
0x103: {  	v63 =	vmov s1;
	v7 =	vadd.s32 v17, v7;
	vm5 =	vlt.s32 v62, v3  }
0x104: {  	v9 =	vadd.s32 v16, v9;
	vm6 =	vlt.s32 v63, v3;
	[tilespmem:v5+s18+$0x0] =	vst.idx.add.f32.msk vm0, v1  }
0x105: {  	v3 =	vadd.s32 v22, v10;
	[tilespmem:v4+s18+$0x0] =	vst.idx.add.f32.msk vm1, v1  }
0x106: {  	[tilespmem:v6+s18+$0x0] =	vst.idx.add.f32.msk vm2, v1  }
0x107: {  	[tilespmem:v8+s18+$0x0] =	vst.idx.add.f32.msk vm3, v1  }
0x108: {  	[tilespmem:v7+s18+$0x0] =	vst.idx.add.f32.msk vm4, v1  }
0x109: {  	[tilespmem:v9+s18+$0x0] =	vst.idx.add.f32.msk vm5, v1  }
0x10a: {  	[tilespmem:v3+s18+$0x0] =	vst.idx.add.f32.msk vm6, v1  }
.LBB2_11:
0x10b: {  	p0 =	seq.s32 s24, $0x3  }
0x10c: {  	s0 =	sadd.s32 @!p0 s25, s10  }
0x10d: {  	s0 =	sshrl.u32 @!p0 s0, $0x3  }
0x10e: {  	s6 =	simm.s32 @!p0 $0x0;
	s1 =	sadd.s32 @!p0 s3, s0  }
0x10f: {  	[tilespmem:s6], [sflag:$0x1] =	stream.linear.gather @!p0 [hbm4b:s1+s6], $0x2000, $0x38;
	[tilespmem:$0x11C80] =	vst v63  }
0x110: {  	s0 =	sadd.s32 @!p0 s4, s0;
	s1 =	simm.s32 @!p0 $0x2000  }
0x111: {  	[tilespmem:s1], [sflag:$0x1] =	stream.linear.gather @!p0 [hbm4b:s0+s6], $0x2000, $0x38;
	[tilespmem:$0x11C80] =	vst v63  }
0x112: {  	p1 =	sgt.u32 s26, $0x1EA628;
	_ =	swait.ge [sflag:s19], $0x2000  }
.Ltmp7:
0x113: {  	[sflag:s19] =	ssyncset.done $0x0;
	(pc) =	sbr.rel @p1 .LBB2_15-.Ltmp7, $4  }
0x114: {  	[sflag:s19] =	ssyncadd.s32 $0xFFFFE000  }
0x115: {  	_ =	swait.ge [sflag:s19], $0x2000  }
0x116: {  	[sflag:s19] =	ssyncset.done $0x0  }
0x117: {  	s0 =	simm.s32 $0x4040;
	[sflag:s19] =	ssyncadd.s32 $0xFFFFE000  }
0x118: {  	v3 =	vld [tilespmem:s0+$0x30]  }
0x119: {  	v4 =	vld [tilespmem:s0+$0xFFFFFFD0]  }
0x11a: {  	v6 =	vld [tilespmem:s0+$0xFFFFFFE0]  }
0x11b: {  	v7 =	vld [tilespmem:s0+$0xFFFFFFF0]  }
0x11c: {  	v8 =	vld [tilespmem:s0+$0x0]  }
0x11d: {  	v9 =	vld [tilespmem:s0+$0x10]  }
0x11e: {  	v10 =	vld [tilespmem:s0+$0x20]  }
0x11f: {  	s1 =	simm.s32 $0x6040;
	v11 =	vld [tilespmem:s0+$0xFFFFFFC0]  }
0x120: {  	v5 =	vld [tilespmem:s1+$0x30]  }
0x121: {  	v13 =	vld [tilespmem:s1+$0xFFFFFFD0]  }
0x122: {  	v14 =	vld [tilespmem:s1+$0xFFFFFFE0]  }
0x123: {  	v15 =	vld [tilespmem:s1+$0xFFFFFFF0]  }
0x124: {  	v16 =	vld [tilespmem:s1+$0x0]  }
0x125: {  	s26 =	simm.s32 $0x60C0;
	v17 =	vld [tilespmem:s1+$0x10];
	v3 =	vmax.f32 v3, $0.0e+00;
	v4 =	vmax.f32 v4, $0.0e+00  }
0x126: {  	v22 =	vld [tilespmem:s26+$0xFFFFFFD0];
	v6 =	vmax.f32 v6, $0.0e+00;
	v7 =	vmax.f32 v7, $0.0e+00;
	v8 =	vmax.f32 v8, $0.0e+00  }
0x127: {  	v23 =	vld [tilespmem:s26+$0xFFFFFFE0];
	v9 =	vmax.f32 v9, $0.0e+00;
	v10 =	vmax.f32 v10, $0.0e+00;
	v11 =	vmax.f32 v11, $0.0e+00  }
0x128: {  	v24 =	vld [tilespmem:s26+$0xFFFFFFF0];
	v3 =	vmin.f32 v3, $1.990000000e+02;
	v4 =	vmin.f32 v4, $1.990000000e+02;
	v5 =	vmax.f32 v5, $0.0e+00  }
0x129: {  	v25 =	vld [tilespmem:s26+$0x0];
	v6 =	vmin.f32 v6, $1.990000000e+02;
	v7 =	vmin.f32 v7, $1.990000000e+02;
	v8 =	vmin.f32 v8, $1.990000000e+02  }
0x12a: {  	v26 =	vld [tilespmem:s26+$0x10];
	v9 =	vmin.f32 v9, $1.990000000e+02;
	v11 =	vmin.f32 v11, $1.990000000e+02;
	v10 =	vmin.f32 v10, $1.990000000e+02  }
0x12b: {  	v13 =	vmax.f32 v13, $0.0e+00;
	v14 =	vmax.f32 v14, $0.0e+00;
	v15 =	vmax.f32 v15, $0.0e+00  }
0x12c: {  	v16 =	vmax.f32 v16, $0.0e+00;
	v17 =	vmax.f32 v17, $0.0e+00;
	v22 =	vmax.f32 v22, $0.0e+00  }
0x12d: {  	v23 =	vmax.f32 v23, $0.0e+00;
	v24 =	vmax.f32 v24, $0.0e+00;
	v3 =	vadd.f32 $5.000000000e-01, v3  }
0x12e: {  	v25 =	vmax.f32 v25, $0.0e+00;
	v4 =	vadd.f32 $5.000000000e-01, v4;
	v11 =	vadd.f32 $5.000000000e-01, v11  }
0x12f: {  	v26 =	vmax.f32 v26, $0.0e+00;
	v6 =	vadd.f32 $5.000000000e-01, v6;
	v7 =	vadd.f32 $5.000000000e-01, v7  }
0x130: {  	v5 =	vmin.f32 v5, $1.990000000e+02;
	v8 =	vadd.f32 $5.000000000e-01, v8;
	v9 =	vadd.f32 $5.000000000e-01, v9  }
0x131: {  	v10 =	vadd.f32 $5.000000000e-01, v10;
	v13 =	vmin.f32 v13, $1.990000000e+02;
	v14 =	vmin.f32 v14, $1.990000000e+02  }
0x132: {  	v15 =	vmin.f32 v15, $1.990000000e+02;
	v16 =	vmin.f32 v16, $1.990000000e+02;
	v17 =	vmin.f32 v17, $1.990000000e+02  }
0x133: {  	v22 =	vmin.f32 v22, $1.990000000e+02;
	v3 =	vtrunc.f32 v3;
	v11 =	vtrunc.f32 v11  }
0x134: {  	v23 =	vmin.f32 v23, $1.990000000e+02;
	v4 =	vtrunc.f32 v4;
	v6 =	vtrunc.f32 v6  }
0x135: {  	v5 =	vadd.f32 $5.000000000e-01, v5;
	v7 =	vtrunc.f32 v7;
	v8 =	vtrunc.f32 v8  }
0x136: {  	v24 =	vmin.f32 v24, $1.990000000e+02;
	v9 =	vtrunc.f32 v9;
	v10 =	vtrunc.f32 v10  }
0x137: {  	v13 =	vadd.f32 $5.000000000e-01, v13;
	v3 =	vcvt.f32.s32 v3;
	v5 =	vtrunc.f32 v5  }
0x138: {  	v14 =	vadd.f32 $5.000000000e-01, v14;
	v11 =	vcvt.f32.s32 v11;
	v4 =	vcvt.f32.s32 v4  }
0x139: {  	v15 =	vadd.f32 $5.000000000e-01, v15;
	v6 =	vcvt.f32.s32 v6;
	v7 =	vcvt.f32.s32 v7  }
0x13a: {  	v16 =	vadd.f32 $5.000000000e-01, v16;
	v8 =	vcvt.f32.s32 v8;
	v9 =	vcvt.f32.s32 v9  }
0x13b: {  	v17 =	vadd.f32 $5.000000000e-01, v17;
	v10 =	vcvt.f32.s32 v10;
	v13 =	vtrunc.f32 v13  }
0x13c: {  	v25 =	vmin.f32 v25, $1.990000000e+02;
	v14 =	vtrunc.f32 v14;
	v15 =	vtrunc.f32 v15  }
0x13d: {  	v26 =	vmin.f32 v26, $1.990000000e+02;
	v16 =	vtrunc.f32 v16;
	v17 =	vtrunc.f32 v17  }
0x13e: {  	s31 =	simm.s32 $0x40C0;
	v12 =	vld [tilespmem:s1+$0xFFFFFFC0];
	v22 =	vadd.f32 $5.000000000e-01, v22;
	v5 =	vcvt.f32.s32 v5;
	v13 =	vcvt.f32.s32 v13  }
0x13f: {  	v18 =	vld [tilespmem:s31+$0x30];
	v23 =	vadd.f32 $5.000000000e-01, v23;
	v14 =	vcvt.f32.s32 v14;
	v15 =	vcvt.f32.s32 v15  }
0x140: {  	v19 =	vld [tilespmem:s31+$0xFFFFFFD0];
	v63 =	vadd.f32 $5.000000000e-01, v25;
	v16 =	vcvt.f32.s32 v16;
	v17 =	vcvt.f32.s32 v17  }
0x141: {  	v21 =	vld [tilespmem:s31+$0xFFFFFFE0];
	v3 =	vmul.u32 $0xC8, v3;
	v11 =	vmul.u32 $0xC8, v11;
	v4 =	vmul.u32 $0xC8, v4  }
0x142: {  	v6 =	vmul.u32 $0xC8, v6;
	v7 =	vmul.u32 $0xC8, v7;
	v8 =	vmul.u32 $0xC8, v8  }
0x143: {  	v9 =	vmul.u32 $0xC8, v9;
	v5 =	vadd.s32 v5, v3;
	v3 =	vmax.f32 v12, $0.0e+00  }
0x144: {  	v62 =	vld [tilespmem:s26+$0x20];
	v13 =	vadd.s32 v13, v4;
	v6 =	vadd.s32 v14, v6;
	v14 =	vmax.f32 v18, $0.0e+00  }
0x145: {  	v12 =	vld [tilespmem:s1+$0x20];
	v15 =	vadd.s32 v15, v7;
	v16 =	vadd.s32 v16, v8;
	v7 =	vmax.f32 v19, $0.0e+00  }
0x146: {  	v8 =	vld [tilespmem:s31+$0x10];
	v18 =	vadd.s32 v17, v9;
	v19 =	vmax.f32 v21, $0.0e+00;
	v3 =	vmin.f32 v3, $1.990000000e+02  }
0x147: {  	v9 =	vld [tilespmem:s31+$0x20];
	v14 =	vmin.f32 v14, $1.990000000e+02;
	v7 =	vmin.f32 v7, $1.990000000e+02;
	v3 =	vadd.f32 $5.000000000e-01, v3  }
0x148: {  	v17 =	vld [tilespmem:s31+$0xFFFFFFC0];
	v19 =	vmin.f32 v19, $1.990000000e+02;
	v14 =	vadd.f32 $5.000000000e-01, v14;
	v7 =	vadd.f32 $5.000000000e-01, v7  }
0x149: {  	v21 =	vmax.f32 v62, $0.0e+00;
	v19 =	vadd.f32 $5.000000000e-01, v19;
	v3 =	vtrunc.f32 v3  }
0x14a: {  	v21 =	vmin.f32 v21, $1.990000000e+02;
	v14 =	vtrunc.f32 v14;
	v7 =	vtrunc.f32 v7  }
0x14b: {  	v19 =	vtrunc.f32 v19;
	v12 =	vmax.f32 v12, $0.0e+00;
	v20 =	vcvt.f32.s32 v3  }
0x14c: {  	v3 =	vmul.u32 $0xC8, v10;
	v10 =	vld [tilespmem:s26+$0x30];
	v14 =	vcvt.f32.s32 v14;
	v8 =	vmax.f32 v8, $0.0e+00  }
0x14d: {  	v9 =	vmax.f32 v9, $0.0e+00;
	v17 =	vmax.f32 v17, $0.0e+00;
	[tilespmem:v13+s18+$0x0] =	vst.idx.add.f32.msk $0xffff, v1;
	v13 =	vcvt.f32.s32 v7  }
0x14e: {  	v7 =	vadd.f32 $5.000000000e-01, v21;
	[tilespmem:v16+s18+$0x0] =	vst.idx.add.f32.msk $0xffff, v1;
	v16 =	vtrunc.f32 v23;
	v12 =	vmin.f32 v12, $1.990000000e+02  }
0x14f: {  	[tilespmem:v15+s18+$0x0] =	vst.idx.add.f32.msk $0xffff, v1;
	v15 =	vtrunc.f32 v63;
	v8 =	vmin.f32 v8, $1.990000000e+02;
	v12 =	vadd.f32 $5.000000000e-01, v12  }
0x150: {  	v17 =	vmin.f32 v17, $1.990000000e+02;
	v9 =	vmin.f32 v9, $1.990000000e+02;
	v11 =	vadd.s32 v20, v11  }
0x151: {  	v20 =	vld [tilespmem:s31+$0xFFFFFFF0];
	v17 =	vadd.f32 $5.000000000e-01, v17;
	v8 =	vadd.f32 $5.000000000e-01, v8;
	v12 =	vtrunc.f32 v12  }
0x152: {  	v9 =	vadd.f32 $5.000000000e-01, v9;
	v4 =	vcvt.f32.s32 v12;
	v12 =	vld [tilespmem:s31+$0x0];
	v10 =	vmax.f32 v10, $0.0e+00  }
0x153: {  	v61 =	vld [tilespmem:s26+$0xFFFFFFC0];
	v14 =	vmul.u32 $0xC8, v14;
	v17 =	vtrunc.f32 v17;
	v10 =	vmin.f32 v10, $1.990000000e+02  }
0x154: {  	[tilespmem:v5+s18+$0x0] =	vst.idx.add.f32.msk $0xffff, v1;
	v8 =	vtrunc.f32 v8;
	v27 =	vtrunc.f32 v9;
	v10 =	vadd.f32 $5.000000000e-01, v10  }
0x155: {  	[tilespmem:v6+s18+$0x0] =	vst.idx.add.f32.msk $0xffff, v1;
	v6 =	vmul.u32 $0xC8, v13;
	v5 =	vcvt.f32.s32 v17;
	v17 =	vcvt.f32.s32 v19  }
0x156: {  	v9 =	vadd.f32 $5.000000000e-01, v26;
	v13 =	vcvt.f32.s32 v8;
	v10 =	vtrunc.f32 v10  }
0x157: {  	v20 =	vmax.f32 v20, $0.0e+00;
	v12 =	vmax.f32 v12, $0.0e+00;
	v10 =	vcvt.f32.s32 v10  }
0x158: {  	[tilespmem:v11+s18+$0x0] =	vst.idx.add.f32.msk $0xffff, v1;
	v11 =	vadd.f32 $5.000000000e-01, v24;
	v20 =	vmin.f32 v20, $1.990000000e+02;
	v12 =	vmin.f32 v12, $1.990000000e+02  }
0x159: {  	v20 =	vadd.f32 $5.000000000e-01, v20;
	v10 =	vadd.s32 v10, v14;
	v12 =	vadd.f32 $5.000000000e-01, v12  }
0x15a: {  	v8 =	vmul.u32 $0xC8, v17;
	v17 =	vtrunc.f32 v22;
	v14 =	vmax.f32 v61, $0.0e+00  }
0x15b: {  	v20 =	vtrunc.f32 v20;
	v14 =	vmin.f32 v14, $1.990000000e+02;
	v12 =	vtrunc.f32 v12  }
0x15c: {  	v19 =	vcvt.f32.s32 v20;
	v14 =	vadd.f32 $5.000000000e-01, v14;
	v20 =	vcvt.f32.s32 v12  }
0x15d: {  	[tilespmem:v18+s18+$0x0] =	vst.idx.add.f32.msk $0xffff, v1;
	v5 =	vmul.u32 $0xC8, v5;
	v18 =	vtrunc.f32 v11;
	v12 =	vcvt.f32.s32 v27  }
0x15e: {  	s28 =	simm.s32 $0x8;
	s29 =	simm.s32 $0x4140;
	v14 =	vtrunc.f32 v14;
	[tilespmem:v10+s18+$0x0] =	vst.idx.add.f32.msk $0xffff, v1;
	v10 =	vmul.u32 $0xC8, v19;
	v11 =	vmul.u32 $0xC8, v20  }
.LBB2_13:
0x15f: {  	v19 =	vld [tilespmem:s29+$0x30];
	s28 =	sadd.s32 $0x8, s28;
	v9 =	vtrunc.f32 v9;
	v13 =	vmul.u32 $0xC8, v13;
	v7 =	vtrunc.f32 v7  }
0x160: {  	v14 =	vcvt.f32.s32 v14;
	v17 =	vcvt.f32.s32 v17;
	v12 =	vmul.u32 $0xC8, v12;
	s26 =	sadd.s32 $0x80, s26;
	v20 =	vld [tilespmem:s29+$0xFFFFFFD0];
	p1 =	slt.u32 s28, $0x1F8  }
0x161: {  	v16 =	vcvt.f32.s32 v16;
	v18 =	vcvt.f32.s32 v18;
	v22 =	vadd.s32 v4, v3;
	v21 =	vld [tilespmem:s26+$0x30]  }
0x162: {  	v9 =	vcvt.f32.s32 v9;
	v5 =	vadd.s32 v14, v5;
	v14 =	vcvt.f32.s32 v15;
	v3 =	vmovc v12;
	v23 =	vld [tilespmem:s29+$0xFFFFFFE0]  }
0x163: {  	v4 =	vcvt.f32.s32 v7;
	v6 =	vadd.s32 v17, v6;
	v8 =	vadd.s32 v16, v8;
	v12 =	vld [tilespmem:s29+$0xFFFFFFF0]  }
0x164: {  	v10 =	vadd.s32 v18, v10;
	v11 =	vadd.s32 v14, v11;
	v7 =	vld [tilespmem:s29+$0x0];
	v15 =	vmax.f32 v19, $0.0e+00  }
0x165: {  	v9 =	vadd.s32 v9, v13;
	v14 =	vmax.f32 v20, $0.0e+00;
	v16 =	vld [tilespmem:s29+$0x10];
	v15 =	vmin.f32 v15, $1.990000000e+02  }
0x166: {  	v13 =	vmin.f32 v14, $1.990000000e+02;
	v14 =	vld [tilespmem:s29+$0x20];
	v17 =	vmax.f32 v21, $0.0e+00;
	v15 =	vadd.f32 $5.000000000e-01, v15  }
0x167: {  	v18 =	vld [tilespmem:s29+$0xFFFFFFC0];
	v13 =	vadd.f32 $5.000000000e-01, v13;
	v19 =	vmax.f32 v23, $0.0e+00;
	v17 =	vmin.f32 v17, $1.990000000e+02  }
0x168: {  	v20 =	vld [tilespmem:s26+$0xFFFFFFC0];
	v12 =	vmax.f32 v12, $0.0e+00;
	v15 =	vtrunc.f32 v15;
	v17 =	vadd.f32 $5.000000000e-01, v17  }
0x169: {  	v19 =	vmin.f32 v19, $1.990000000e+02;
	v21 =	vld [tilespmem:s26+$0xFFFFFFD0];
	v7 =	vmax.f32 v7, $0.0e+00;
	v15 =	vcvt.f32.s32 v15  }
0x16a: {  	v12 =	vmin.f32 v12, $1.990000000e+02;
	v23 =	vld [tilespmem:s26+$0xFFFFFFE0];
	v16 =	vmax.f32 v16, $0.0e+00;
	v17 =	vtrunc.f32 v17  }
0x16b: {  	v24 =	vld [tilespmem:s26+$0xFFFFFFF0];
	v14 =	vmax.f32 v14, $0.0e+00;
	v17 =	vcvt.f32.s32 v17;
	v15 =	vmul.u32 $0xC8, v15  }
0x16c: {  	v7 =	vmin.f32 v7, $1.990000000e+02;
	v16 =	vmin.f32 v16, $1.990000000e+02;
	v18 =	vmax.f32 v18, $0.0e+00;
	v25 =	vld [tilespmem:s26+$0x0]  }
0x16d: {  	v14 =	vmin.f32 v14, $1.990000000e+02;
	v18 =	vmin.f32 v18, $1.990000000e+02;
	v26 =	vld [tilespmem:s26+$0x10];
	v15 =	vadd.s32 v17, v15  }
0x16e: {  	v19 =	vadd.f32 $5.000000000e-01, v19;
	v17 =	vmax.f32 v20, $0.0e+00;
	v18 =	vadd.f32 $5.000000000e-01, v18;
	v20 =	vld [tilespmem:s26+$0x20]  }
0x16f: {  	v12 =	vadd.f32 $5.000000000e-01, v12;
	v7 =	vadd.f32 $5.000000000e-01, v7;
	v21 =	vmax.f32 v21, $0.0e+00;
	[tilespmem:v5+s18+$0x0] =	vst.idx.add.f32.msk $0xffff, v1  }
0x170: {  	v16 =	vadd.f32 $5.000000000e-01, v16;
	v14 =	vadd.f32 $5.000000000e-01, v14;
	v5 =	vmax.f32 v23, $0.0e+00;
	[tilespmem:v6+s18+$0x0] =	vst.idx.add.f32.msk $0xffff, v1  }
0x171: {  	v6 =	vmin.f32 v17, $1.990000000e+02;
	v17 =	vmax.f32 v24, $0.0e+00;
	v23 =	vmax.f32 v25, $0.0e+00;
	[tilespmem:v8+s18+$0x0] =	vst.idx.add.f32.msk $0xffff, v1  }
0x172: {  	v5 =	vmin.f32 v5, $1.990000000e+02;
	v8 =	vmin.f32 v21, $1.990000000e+02;
	v21 =	vmax.f32 v26, $0.0e+00;
	[tilespmem:v15+s18+$0x0] =	vst.idx.add.f32.msk $0xffff, v1  }
0x173: {  	v15 =	vmin.f32 v17, $1.990000000e+02;
	v17 =	vmin.f32 v23, $1.990000000e+02;
	v20 =	vmax.f32 v20, $0.0e+00;
	[tilespmem:v10+s18+$0x0] =	vst.idx.add.f32.msk $0xffff, v1  }
0x174: {  	v10 =	vtrunc.f32 v18;
	v18 =	vmin.f32 v21, $1.990000000e+02;
	v20 =	vmin.f32 v20, $1.990000000e+02;
	[tilespmem:v11+s18+$0x0] =	vst.idx.add.f32.msk $0xffff, v1  }
0x175: {  	v11 =	vadd.f32 $5.000000000e-01, v6;
	v6 =	vtrunc.f32 v13;
	v13 =	vtrunc.f32 v19;
	[tilespmem:v9+s18+$0x0] =	vst.idx.add.f32.msk $0xffff, v1  }
0x176: {  	v19 =	vadd.f32 $5.000000000e-01, v8;
	v8 =	vtrunc.f32 v12;
	v12 =	vtrunc.f32 v7;
	[tilespmem:v22+s18+$0x0] =	vst.idx.add.f32.msk $0xffff, v1  }
0x177: {  	v16 =	vtrunc.f32 v16;
	v21 =	vadd.f32 $5.000000000e-01, v5;
	v22 =	vtrunc.f32 v14  }
0x178: {  	v15 =	vadd.f32 $5.000000000e-01, v15;
	v23 =	vadd.f32 $5.000000000e-01, v17;
	v5 =	vcvt.f32.s32 v10  }
0x179: {  	v6 =	vcvt.f32.s32 v6;
	v9 =	vadd.f32 $5.000000000e-01, v18;
	v7 =	vadd.f32 $5.000000000e-01, v20  }
.Ltmp8:
0x17a: {  	v10 =	vcvt.f32.s32 v13;
	v18 =	vcvt.f32.s32 v8;
	v5 =	vmul.u32 $0xC8, v5;
	(pc) =	sbr.rel @p1 .LBB2_13-.Ltmp8, $4  }
0x17b: {  	v20 =	vcvt.f32.s32 v12;
	v13 =	vcvt.f32.s32 v16;
	v6 =	vmul.u32 $0xC8, v6  }
0x17c: {  	v14 =	vtrunc.f32 v11;
	v8 =	vmul.u32 $0xC8, v10;
	v12 =	vcvt.f32.s32 v22  }
0x17d: {  	v16 =	vtrunc.f32 v21;
	v17 =	vtrunc.f32 v19;
	v10 =	vmul.u32 $0xC8, v18  }
0x17e: {  	s29 =	sadd.s32 $0x80, s29;
	v18 =	vtrunc.f32 v15;
	v15 =	vtrunc.f32 v23;
	v11 =	vmul.u32 $0xC8, v20  }
0x17f: {  	v14 =	vcvt.f32.s32 v14  }
0x180: {  	v17 =	vcvt.f32.s32 v17;
	v3 =	vadd.s32 v4, v3  }
0x181: {  	v16 =	vcvt.f32.s32 v16;
	v5 =	vadd.s32 v14, v5  }
0x182: {  	v62 =	vcvt.f32.s32 v18;
	v9 =	vtrunc.f32 v9;
	v6 =	vadd.s32 v17, v6  }
0x183: {  	v15 =	vcvt.f32.s32 v15;
	v13 =	vmul.u32 $0xC8, v13;
	v8 =	vadd.s32 v16, v8  }
0x184: {  	v7 =	vtrunc.f32 v7;
	v9 =	vcvt.f32.s32 v9;
	v10 =	vadd.s32 v62, v10  }
0x185: {  	v12 =	vmul.u32 $0xC8, v12;
	v7 =	vcvt.f32.s32 v7;
	v11 =	vadd.s32 v15, v11;
	[tilespmem:v3+s18+$0x0] =	vst.idx.add.f32.msk $0xffff, v1  }
0x186: {  	v9 =	vadd.s32 v9, v13;
	[tilespmem:v5+s18+$0x0] =	vst.idx.add.f32.msk $0xffff, v1  }
0x187: {  	v63 =	vadd.s32 v7, v12;
	[tilespmem:v6+s18+$0x0] =	vst.idx.add.f32.msk $0xffff, v1  }
.Ltmp9:
0x188: {  	[tilespmem:v8+s18+$0x0] =	vst.idx.add.f32.msk $0xffff, v1;
	(pc) =	sbr.rel .LBB2_18-.Ltmp9, $4  }
0x189: {  	[tilespmem:v10+s18+$0x0] =	vst.idx.add.f32.msk $0xffff, v1  }
0x18a: {  	[tilespmem:v11+s18+$0x0] =	vst.idx.add.f32.msk $0xffff, v1  }
0x18b: {  	[tilespmem:v9+s18+$0x0] =	vst.idx.add.f32.msk $0xffff, v1  }
0x18c: {  	[tilespmem:v63+s18+$0x0] =	vst.idx.add.f32.msk $0xffff, v1  }
.LBB2_15:
0x18d: {  	v3 =	vld [tilespmem:s0+$0x30]  }
0x18e: {  	v4 =	vld [tilespmem:s0+$0xFFFFFFC0]  }
0x18f: {  	v6 =	vld [tilespmem:s0+$0xFFFFFFD0]  }
0x190: {  	v7 =	vld [tilespmem:s0+$0xFFFFFFE0]  }
0x191: {  	v8 =	vld [tilespmem:s0+$0xFFFFFFF0]  }
0x192: {  	s28 =	simm.s32 $0x6040;
	v10 =	vld [tilespmem:s0+$0x0]  }
0x193: {  	s1 =	ssub.s32 $0x1EC628, s26;
	s26 =	simm.s32 $0x70;
	v5 =	vld [tilespmem:s28+$0x30]  }
0x194: {  	v17 =	vmov s26  }
0x195: {  	v9 =	vmax.f32 v3, $0.0e+00;
	v3 =	vadd.s32 s1, v2;
	v4 =	vmax.f32 v4, $0.0e+00  }
0x196: {  	v6 =	vmax.f32 v6, $0.0e+00;
	v7 =	vmax.f32 v7, $0.0e+00;
	v8 =	vmax.f32 v8, $0.0e+00  }
0x197: {  	v10 =	vmax.f32 v10, $0.0e+00;
	v9 =	vmin.f32 v9, $1.990000000e+02;
	v4 =	vmin.f32 v4, $1.990000000e+02  }
0x198: {  	v11 =	vld [tilespmem:s0+$0x10];
	v5 =	vmax.f32 v5, $0.0e+00;
	v7 =	vmin.f32 v7, $1.990000000e+02;
	vm0 =	vlt.s32 v17, v3  }
0x199: {  	v12 =	vld [tilespmem:s0+$0x20];
	v8 =	vmin.f32 v8, $1.990000000e+02;
	v10 =	vmin.f32 v10, $1.990000000e+02;
	v9 =	vadd.f32 $5.000000000e-01, v9  }
0x19a: {  	v4 =	vadd.f32 $5.000000000e-01, v4;
	v5 =	vmin.f32 v5, $1.990000000e+02;
	v7 =	vadd.f32 $5.000000000e-01, v7  }
0x19b: {  	v17 =	vld [tilespmem:s28+$0x10];
	v8 =	vadd.f32 $5.000000000e-01, v8;
	v10 =	vadd.f32 $5.000000000e-01, v10;
	v9 =	vtrunc.f32 v9  }
0x19c: {  	v13 =	vld [tilespmem:s28+$0xFFFFFFC0];
	v5 =	vadd.f32 $5.000000000e-01, v5;
	v4 =	vtrunc.f32 v4;
	v7 =	vtrunc.f32 v7  }
0x19d: {  	v14 =	vld [tilespmem:s28+$0xFFFFFFD0];
	v11 =	vmax.f32 v11, $0.0e+00;
	v8 =	vtrunc.f32 v8;
	v10 =	vtrunc.f32 v10  }
0x19e: {  	v15 =	vld [tilespmem:s28+$0xFFFFFFE0];
	v12 =	vmax.f32 v12, $0.0e+00;
	v9 =	vcvt.f32.s32 v9;
	v5 =	vtrunc.f32 v5  }
0x19f: {  	v16 =	vld [tilespmem:s28+$0xFFFFFFF0];
	v6 =	vmin.f32 v6, $1.990000000e+02;
	v4 =	vcvt.f32.s32 v4;
	v8 =	vcvt.f32.s32 v8  }
0x1a0: {  	v18 =	vld [tilespmem:s28+$0x0];
	v5 =	vcvt.f32.s32 v5;
	v17 =	vmax.f32 v17, $0.0e+00;
	v9 =	vmul.u32 $0xC8, v9  }
0x1a1: {  	v7 =	vcvt.f32.s32 v7;
	v17 =	vmin.f32 v17, $1.990000000e+02;
	v8 =	vmul.u32 $0xC8, v8  }
0x1a2: {  	v17 =	vadd.f32 $5.000000000e-01, v17;
	v19 =	vadd.s32 v5, v9;
	v5 =	vadd.f32 $5.000000000e-01, v6  }
0x1a3: {  	v6 =	vmin.f32 v11, $1.990000000e+02;
	v11 =	vmin.f32 v12, $1.990000000e+02;
	v12 =	vmax.f32 v13, $0.0e+00  }
0x1a4: {  	v13 =	vmax.f32 v14, $0.0e+00;
	v14 =	vmax.f32 v15, $0.0e+00;
	v15 =	vmax.f32 v16, $0.0e+00  }
0x1a5: {  	v16 =	vmax.f32 v18, $0.0e+00;
	v6 =	vadd.f32 $5.000000000e-01, v6;
	v11 =	vadd.f32 $5.000000000e-01, v11  }
0x1a6: {  	v12 =	vmin.f32 v12, $1.990000000e+02;
	v13 =	vmin.f32 v13, $1.990000000e+02;
	v14 =	vmin.f32 v14, $1.990000000e+02  }
0x1a7: {  	v15 =	vmin.f32 v15, $1.990000000e+02;
	v16 =	vmin.f32 v16, $1.990000000e+02;
	v21 =	vtrunc.f32 v17  }
0x1a8: {  	v9 =	vld [tilespmem:s28+$0x20];
	v5 =	vtrunc.f32 v5;
	v12 =	vadd.f32 $5.000000000e-01, v12;
	v13 =	vadd.f32 $5.000000000e-01, v13  }
0x1a9: {  	v14 =	vadd.f32 $5.000000000e-01, v14;
	v6 =	vtrunc.f32 v6;
	v11 =	vtrunc.f32 v11  }
0x1aa: {  	v15 =	vadd.f32 $5.000000000e-01, v15;
	v18 =	vcvt.f32.s32 v5;
	v11 =	vcvt.f32.s32 v11  }
0x1ab: {  	v16 =	vadd.f32 $5.000000000e-01, v16;
	v12 =	vtrunc.f32 v12;
	v13 =	vtrunc.f32 v13  }
0x1ac: {  	v5 =	vmul.u32 $0xC8, v4;
	v14 =	vtrunc.f32 v14;
	v15 =	vtrunc.f32 v15  }
0x1ad: {  	v16 =	vtrunc.f32 v16;
	v9 =	vmax.f32 v9, $0.0e+00;
	v13 =	vcvt.f32.s32 v13  }
0x1ae: {  	s31 =	simm.s32 $0x20;
	v4 =	vmul.u32 $0xC8, v18;
	v18 =	vcvt.f32.s32 v14;
	v15 =	vcvt.f32.s32 v15  }
0x1af: {  	v14 =	vmov s31;
	v17 =	vcvt.f32.s32 v16;
	v9 =	vmin.f32 v9, $1.990000000e+02  }
0x1b0: {  	s6 =	simm.s32 $0x30;
	s7 =	simm.s32 $0x40;
	v20 =	vadd.f32 $5.000000000e-01, v9;
	v9 =	vcvt.f32.s32 v10;
	v10 =	vcvt.f32.s32 v6  }
0x1b1: {  	v16 =	vcvt.f32.s32 v21;
	[tilespmem:v19+s18+$0x0] =	vst.idx.add.f32.msk vm0, v1;
	v21 =	vmov s6;
	v19 =	vmov s7  }
0x1b2: {  	v6 =	vmul.u32 $0xC8, v7;
	v7 =	vmul.u32 $0xC8, v9;
	v9 =	vmul.u32 $0xC8, v10  }
0x1b3: {  	s20 =	simm.s32 $0x0;
	s21 =	simm.s32 $0x10;
	s29 =	simm.s32 $0x0;
	v22 =	vtrunc.f32 v20;
	v10 =	vmul.u32 $0xC8, v11;
	v20 =	vcvt.f32.s32 v12  }
0x1b4: {  	s0 =	simm.s32 $0x50;
	s30 =	simm.s32 $0x40C0;
	s1 =	simm.s32 $0x60;
	v11 =	vmov s20;
	v12 =	vmov s21;
	v22 =	vcvt.f32.s32 v22  }
.LBB2_16:
0x1b5: {  	v23 =	vld [tilespmem:s30+$0x30];
	s29 =	sadd.s32 $0x8, s29;
	v5 =	vadd.s32 v20, v5;
	v20 =	vmov s0;
	v24 =	vmov s1  }
0x1b6: {  	v4 =	vadd.s32 v13, v4;
	v6 =	vadd.s32 v18, v6;
	v8 =	vadd.s32 v15, v8;
	s28 =	sadd.s32 $0x80, s28;
	v25 =	vld [tilespmem:s30+$0xFFFFFFC0];
	p1 =	slt.u32 s29, $0x1F8  }
0x1b7: {  	v7 =	vadd.s32 v17, v7;
	v9 =	vadd.s32 v16, v9;
	v10 =	vadd.s32 v22, v10;
	v13 =	vld [tilespmem:s28+$0x30]  }
0x1b8: {  	vm6 =	vlt.s32 v11, v3;
	vm5 =	vlt.s32 v12, v3;
	vm4 =	vlt.s32 v14, v3;
	v15 =	vld [tilespmem:s30+$0xFFFFFFD0]  }
0x1b9: {  	vm3 =	vlt.s32 v21, v3;
	vm2 =	vlt.s32 v19, v3;
	vm1 =	vlt.s32 v20, v3;
	v11 =	vld [tilespmem:s30+$0xFFFFFFE0]  }
0x1ba: {  	vm0 =	vlt.s32 v24, v3;
	v12 =	vld [tilespmem:s30+$0xFFFFFFF0];
	v14 =	vmax.f32 v23, $0.0e+00  }
0x1bb: {  	v16 =	vmax.f32 v25, $0.0e+00;
	v17 =	vld [tilespmem:s30+$0x0];
	v14 =	vmin.f32 v14, $1.990000000e+02  }
0x1bc: {  	v16 =	vmin.f32 v16, $1.990000000e+02;
	v18 =	vld [tilespmem:s30+$0x10];
	v13 =	vmax.f32 v13, $0.0e+00;
	v14 =	vadd.f32 $5.000000000e-01, v14  }
0x1bd: {  	v16 =	vadd.f32 $5.000000000e-01, v16;
	v15 =	vmax.f32 v15, $0.0e+00;
	v19 =	vld [tilespmem:s30+$0x20];
	v13 =	vmin.f32 v13, $1.990000000e+02  }
0x1be: {  	v20 =	vld [tilespmem:s28+$0xFFFFFFC0];
	v11 =	vmax.f32 v11, $0.0e+00;
	v14 =	vtrunc.f32 v14;
	v13 =	vadd.f32 $5.000000000e-01, v13  }
0x1bf: {  	v15 =	vmin.f32 v15, $1.990000000e+02;
	v21 =	vld [tilespmem:s28+$0xFFFFFFD0];
	v12 =	vmax.f32 v12, $0.0e+00;
	v14 =	vcvt.f32.s32 v14  }
0x1c0: {  	s26 =	sadd.s32 $0x80, s26;
	v11 =	vmin.f32 v11, $1.990000000e+02;
	v22 =	vld [tilespmem:s28+$0xFFFFFFE0];
	v17 =	vmax.f32 v17, $0.0e+00;
	v13 =	vtrunc.f32 v13  }
0x1c1: {  	s6 =	sadd.s32 $0xFFFFFFA0, s26;
	s20 =	sadd.s32 $0xFFFFFFB0, s26;
	s14 =	sadd.s32 $0xFFFFFFC0, s26;
	v24 =	vmov s26;
	v23 =	vld [tilespmem:s28+$0xFFFFFFF0];
	v13 =	vcvt.f32.s32 v13;
	v14 =	vmul.u32 $0xC8, v14  }
0x1c2: {  	s21 =	sadd.s32 $0xFFFFFFD0, s26;
	s0 =	sadd.s32 $0xFFFFFFE0, s26;
	s1 =	sadd.s32 $0xFFFFFFF0, s26;
	vm7 =	vlt.s32 v24, v3;
	v18 =	vmax.f32 v18, $0.0e+00;
	v25 =	vld [tilespmem:s28+$0x0];
	v19 =	vmax.f32 v19, $0.0e+00  }
0x1c3: {  	s7 =	sadd.s32 $0xFFFFFF90, s26;
	v12 =	vmin.f32 v12, $1.990000000e+02;
	v17 =	vmin.f32 v17, $1.990000000e+02;
	v24 =	vld [tilespmem:s28+$0x10];
	v13 =	vadd.s32 v13, v14  }
0x1c4: {  	v14 =	vadd.f32 $5.000000000e-01, v15;
	v15 =	vmin.f32 v18, $1.990000000e+02;
	v19 =	vmin.f32 v19, $1.990000000e+02;
	v18 =	vld [tilespmem:s28+$0x20]  }
0x1c5: {  	v11 =	vadd.f32 $5.000000000e-01, v11;
	v12 =	vadd.f32 $5.000000000e-01, v12;
	v20 =	vmax.f32 v20, $0.0e+00;
	[tilespmem:v5+s18+$0x0] =	vst.idx.add.f32.msk vm6, v1  }
0x1c6: {  	v17 =	vadd.f32 $5.000000000e-01, v17;
	v15 =	vadd.f32 $5.000000000e-01, v15;
	v5 =	vmax.f32 v21, $0.0e+00;
	[tilespmem:v4+s18+$0x0] =	vst.idx.add.f32.msk vm5, v1  }
0x1c7: {  	v19 =	vadd.f32 $5.000000000e-01, v19;
	v4 =	vmax.f32 v22, $0.0e+00;
	v21 =	vmax.f32 v23, $0.0e+00;
	[tilespmem:v6+s18+$0x0] =	vst.idx.add.f32.msk vm4, v1  }
0x1c8: {  	v6 =	vmin.f32 v20, $1.990000000e+02;
	v20 =	vmax.f32 v25, $0.0e+00;
	v22 =	vmax.f32 v24, $0.0e+00;
	[tilespmem:v13+s18+$0x0] =	vst.idx.add.f32.msk vm7, v1  }
0x1c9: {  	v5 =	vmin.f32 v5, $1.990000000e+02;
	v4 =	vmin.f32 v4, $1.990000000e+02;
	v13 =	vmax.f32 v18, $0.0e+00;
	[tilespmem:v8+s18+$0x0] =	vst.idx.add.f32.msk vm3, v1  }
0x1ca: {  	v8 =	vmin.f32 v21, $1.990000000e+02;
	v18 =	vmin.f32 v20, $1.990000000e+02;
	v20 =	vmin.f32 v22, $1.990000000e+02;
	[tilespmem:v7+s18+$0x0] =	vst.idx.add.f32.msk vm2, v1  }
0x1cb: {  	v14 =	vtrunc.f32 v14;
	v7 =	vtrunc.f32 v16;
	v13 =	vmin.f32 v13, $1.990000000e+02;
	[tilespmem:v9+s18+$0x0] =	vst.idx.add.f32.msk vm1, v1  }
0x1cc: {  	v6 =	vadd.f32 $5.000000000e-01, v6;
	v9 =	vtrunc.f32 v11;
	v11 =	vtrunc.f32 v12;
	[tilespmem:v10+s18+$0x0] =	vst.idx.add.f32.msk vm0, v1  }
0x1cd: {  	v15 =	vtrunc.f32 v15;
	v12 =	vtrunc.f32 v17;
	v10 =	vadd.f32 $5.000000000e-01, v5  }
0x1ce: {  	v16 =	vadd.f32 $5.000000000e-01, v4;
	v8 =	vadd.f32 $5.000000000e-01, v8;
	v17 =	vtrunc.f32 v19  }
0x1cf: {  	v4 =	vcvt.f32.s32 v7;
	v7 =	vadd.f32 $5.000000000e-01, v18;
	v18 =	vadd.f32 $5.000000000e-01, v20  }
0x1d0: {  	v14 =	vcvt.f32.s32 v14;
	v13 =	vadd.f32 $5.000000000e-01, v13;
	v9 =	vcvt.f32.s32 v9  }
0x1d1: {  	v11 =	vcvt.f32.s32 v11;
	v12 =	vcvt.f32.s32 v12;
	v5 =	vmul.u32 $0xC8, v4  }
0x1d2: {  	v4 =	vmul.u32 $0xC8, v14;
	v14 =	vcvt.f32.s32 v15;
	v15 =	vcvt.f32.s32 v17  }
0x1d3: {  	v17 =	vtrunc.f32 v6;
	v19 =	vtrunc.f32 v10;
	v6 =	vmul.u32 $0xC8, v9  }
0x1d4: {  	v16 =	vtrunc.f32 v16;
	v21 =	vtrunc.f32 v8;
	v8 =	vmul.u32 $0xC8, v11  }
0x1d5: {  	v22 =	vtrunc.f32 v7;
	v23 =	vtrunc.f32 v18;
	v7 =	vmul.u32 $0xC8, v12  }
.Ltmp10:
0x1d6: {  	v24 =	vtrunc.f32 v13;
	v9 =	vmul.u32 $0xC8, v14;
	v10 =	vmul.u32 $0xC8, v15;
	(pc) =	sbr.rel @p1 .LBB2_16-.Ltmp10, $4  }
0x1d7: {  	v20 =	vcvt.f32.s32 v17;
	v11 =	vmov s7;
	v13 =	vcvt.f32.s32 v19  }
0x1d8: {  	v18 =	vcvt.f32.s32 v16;
	v12 =	vmov s6;
	v15 =	vcvt.f32.s32 v21  }
0x1d9: {  	v17 =	vcvt.f32.s32 v22;
	v16 =	vcvt.f32.s32 v23;
	v14 =	vmov s20  }
0x1da: {  	s30 =	sadd.s32 $0x80, s30;
	v22 =	vcvt.f32.s32 v24;
	v21 =	vmov s14;
	v19 =	vmov s21  }
0x1db: {  	vm0 =	vlt.s32 v11, v3  }
0x1dc: {  	v5 =	vadd.s32 v20, v5;
	vm1 =	vlt.s32 v12, v3  }
0x1dd: {  	v4 =	vadd.s32 v13, v4;
	vm2 =	vlt.s32 v14, v3  }
0x1de: {  	v6 =	vadd.s32 v18, v6;
	vm3 =	vlt.s32 v21, v3  }
0x1df: {  	v62 =	vmov s0;
	v8 =	vadd.s32 v15, v8;
	vm4 =	vlt.s32 v19, v3  }
0x1e0: {  	v63 =	vmov s1;
	v7 =	vadd.s32 v17, v7;
	vm5 =	vlt.s32 v62, v3  }
0x1e1: {  	v9 =	vadd.s32 v16, v9;
	vm6 =	vlt.s32 v63, v3;
	[tilespmem:v5+s18+$0x0] =	vst.idx.add.f32.msk vm0, v1  }
0x1e2: {  	v3 =	vadd.s32 v22, v10;
	[tilespmem:v4+s18+$0x0] =	vst.idx.add.f32.msk vm1, v1  }
0x1e3: {  	[tilespmem:v6+s18+$0x0] =	vst.idx.add.f32.msk vm2, v1  }
0x1e4: {  	[tilespmem:v8+s18+$0x0] =	vst.idx.add.f32.msk vm3, v1  }
0x1e5: {  	[tilespmem:v7+s18+$0x0] =	vst.idx.add.f32.msk vm4, v1  }
0x1e6: {  	[tilespmem:v9+s18+$0x0] =	vst.idx.add.f32.msk vm5, v1  }
0x1e7: {  	[tilespmem:v3+s18+$0x0] =	vst.idx.add.f32.msk vm6, v1  }
.LBB2_18:
.Ltmp11:
0x1e8: {  	(pc) =	sbr.rel @p0 .LBB2_20-.Ltmp11, $1  }
0x1e9: {  	_ =	sdelay $0x3  }
0x1ea: {  	s0 =	sadd.s32 s25, s11  }
.Ltmp12:
0x1eb: {  	s0 =	sshrl.u32 s0, $0x3;
	(pc) =	sbr.rel .LBB2_4-.Ltmp12, $4  }
0x1ec: {  	s1 =	sadd.s32 s3, s0  }
0x1ed: {  	[tilespmem:s15], [sflag:$0x2] =	stream.linear.gather [hbm4b:s1+s2], $0x2000, $0x38;
	[tilespmem:$0x11C80] =	vst v63  }
0x1ee: {  	s24 =	sadd.s32 $0x1, s24;
	s0 =	sadd.s32 s4, s0  }
0x1ef: {  	[tilespmem:s16], [sflag:$0x2] =	stream.linear.gather [hbm4b:s0+s2], $0x2000, $0x38;
	[tilespmem:$0x11C80] =	vst v63  }
.LBB2_21:
0x1f0: {  	_ =	sfence.sel $0x180000  }
0x1f1: {  	[bflag:$0x0] =	sbarrier.arrive $0xFFFF  }
0x1f2: {  	_ =	strace $0x90000047  }
0x1f3: {  	s0 =	stileid.u32;
	[bflag:$0x2] =	sbarrier.arrive $0xFFFF  }
0x1f4: {  	p0 =	sne.s32 s0, $0x0;
	s0 =	rddreg [dreg:$0x1]  }
0x1f5: {  	s0 =	sadd.s32 @!p0 $0x100000, s0  }
0x1f6: {  	[sflag:s0] =	ssyncadd.tile.s32 @!p0 $0x1;
	_ =	shalt  }
.Lfunc_end2:
_tile_overlayer_lowered:
.L_overlay_start_2:
0x1f7: {  	(tag) =	ssettag $0x2  }
0x1f8: {  	s0 =	rddreg [dreg:$0x0];
	s2 =	stileid.u32  }
0x1f9: {  	s1 =	rddreg [dreg:$0x1];
	p0 =	sne.s32 s2, $0x0  }
0x1fa: {  	s3 =	rddreg [dreg:$0x2];
	[bflag:$0x3] =	sbarrier.arrive $0xFFFF;
	s2 =	simm.s32 @!p0 $0x1C03  }
0x1fb: {  	[timem:s3], [sflag:s2] =	dma.local @!p0 [hbm:s0], s1  }
0x1fc: {  	s0 =	simm.s32 @!p0 $0x3  }
0x1fd: {  	_ =	swait.ge @!p0 [sflag:s0], s1  }
0x1fe: {  	s1 =	ssub.s32 @!p0 $0x0, s1;
	[sflag:s0] =	ssyncset.done @!p0 $0x0  }
0x1ff: {  	[sflag:s0] =	ssyncadd.s32 @!p0 s1  }
0x200: {  	[bflag:$0x3] =	sbarrier.arrive $0xFFFF  }
0x201: {  	_ =	shalt  }

</sc_bundles>
